<compile_context>
chip_gen: v7x
topology: tpu7x:2x2x1
jax: 0.10.2.dev20260603
libtpu: 0.0.44.dev20260713+nightly
codegen_flags: <defaults>
</compile_context>

<pallas_src>
import functools

import jax
import jax.numpy as jnp
from jax import lax
from jax.experimental import pallas as pl
from jax.experimental.pallas import tpu as pltpu
from jax.experimental.pallas import tpu_sc as plsc

N = 10000
E = 160000
DI = 256
DH = 256
DO = 128

E_PAD = 163840
EROWS = E_PAD // 128
NACC = 10240
DUMMY = 10008
MB = 5000
GRID_M = N // MB


def _deg_body(dst_hbm, out_hbm, dst_v, ones_v, zero_v, acc_sh, dsem):
    c = lax.axis_index("c")
    s = lax.axis_index("s")
    for i in range(8):
        ones_v[pl.ds(i * 16, 16)] = jnp.full((16,), 1.0, jnp.float32)

    def zfill(i, _):
        zero_v[pl.ds(i * 16, 16)] = jnp.zeros((16,), jnp.float32)
        return 0

    lax.fori_loop(0, 40, zfill, 0)
    pltpu.sync_copy(zero_v, acc_sh.at[pl.ds(pl.multiple_of(s * 640, 8), 640)])
    row0 = pl.multiple_of(c * 640 + s * 40, 8)
    pltpu.sync_copy(dst_hbm.at[pl.ds(row0, 40)], dst_v)
    plsc.subcore_barrier()

    def body(j, _):
        pltpu.async_copy(ones_v, acc_sh.at[dst_v.at[j]], dsem, add=True)
        return 0

    lax.fori_loop(0, 40, body, 0)

    def drain(j, _):
        pltpu.make_async_copy(ones_v, acc_sh.at[dst_v.at[j]], dsem).wait()
        return 0

    lax.fori_loop(0, 40, drain, 0)
    plsc.subcore_barrier()
    pltpu.sync_copy(acc_sh.at[pl.ds(pl.multiple_of(s * 640, 8), 640)],
                    out_hbm.at[pl.ds(pl.multiple_of(c * NACC + s * 640, 8), 640)])


@functools.cache
def _deg_call():
    mesh = plsc.VectorSubcoreMesh(core_axis_name="c", subcore_axis_name="s")
    return pl.kernel(
        _deg_body,
        mesh=mesh,
        out_type=jax.ShapeDtypeStruct((2 * NACC,), jnp.float32),
        scratch_types=[
            pltpu.VMEM((40, 128), jnp.int32),
            pltpu.VMEM((128,), jnp.float32),
            pltpu.VMEM((640,), jnp.float32),
            pltpu.VMEM_SHARED((NACC,), jnp.float32),
            pltpu.SemaphoreType.DMA,
        ],
    )


def _agg_body(hs_hbm, src_hbm, dst_hbm, out_hbm, src_v, dst_v, buf0_v, buf1_v,
              acc_sh, gs0, gs1, isem):
    c = lax.axis_index("c")
    s = lax.axis_index("s")
    r0 = pl.multiple_of(s * 624, 8)
    pltpu.async_copy(hs_hbm.at[pl.ds(pl.multiple_of(c * N + r0, 8), 624)],
                     acc_sh.at[pl.ds(r0, 624)], isem)

    @pl.when(s == 15)
    def _init_tail():
        pltpu.sync_copy(hs_hbm.at[pl.ds(pl.multiple_of(c * N + 9984, 8), 16)],
                        acc_sh.at[pl.ds(9984, 16)])

    off = c * N

    def load_idx(p):
        er = pl.multiple_of(s * 80 + p * 40, 8)
        pltpu.sync_copy(src_hbm.at[pl.ds(er, 40)], src_v)
        pltpu.sync_copy(dst_hbm.at[pl.ds(er, 40)], dst_v)

        def offs(r, _):
            for k in range(8):
                sl = pl.ds(k * 16, 16)
                src_v[r, sl] = src_v[r, sl] + off
            return 0

        lax.fori_loop(0, 40, offs, 0)

    load_idx(0)
    pltpu.async_copy(hs_hbm.at[src_v.at[0]], buf0_v, gs0)
    pltpu.make_async_copy(hs_hbm.at[pl.ds(pl.multiple_of(c * N + r0, 8), 624)],
                          acc_sh.at[pl.ds(r0, 624)], isem).wait()
    plsc.subcore_barrier()

    for p in range(2):
        if p:
            load_idx(p)
            pltpu.async_copy(hs_hbm.at[src_v.at[0]], buf0_v, gs0)

        def body(i, _):
            j0 = 2 * i
            j1 = 2 * i + 1
            pltpu.async_copy(hs_hbm.at[src_v.at[j1]], buf1_v, gs1)
            pltpu.make_async_copy(hs_hbm.at[src_v.at[j0]], buf0_v, gs0).wait()
            pltpu.sync_copy(buf0_v, acc_sh.at[dst_v.at[j0]], add=True)

            @pl.when(j1 + 1 < 40)
            def _prefetch():
                pltpu.async_copy(hs_hbm.at[src_v.at[j1 + 1]], buf0_v, gs0)

            pltpu.make_async_copy(hs_hbm.at[src_v.at[j1]], buf1_v, gs1).wait()
            pltpu.sync_copy(buf1_v, acc_sh.at[dst_v.at[j1]], add=True)
            return 0

        lax.fori_loop(0, 20, body, 0)
    plsc.subcore_barrier()
    pltpu.sync_copy(acc_sh.at[pl.ds(r0, 624)],
                    out_hbm.at[pl.ds(pl.multiple_of(c * N + r0, 8), 624)])

    @pl.when(s == 15)
    def _out_tail():
        pltpu.sync_copy(acc_sh.at[pl.ds(9984, 16)],
                        out_hbm.at[pl.ds(pl.multiple_of(c * N + 9984, 8), 16)])


@functools.cache
def _agg_call():
    mesh = plsc.VectorSubcoreMesh(core_axis_name="c", subcore_axis_name="s")
    return pl.kernel(
        _agg_body,
        mesh=mesh,
        out_type=jax.ShapeDtypeStruct((2 * N, DO), jnp.float32),
        scratch_types=[
            pltpu.VMEM((40, 128), jnp.int32),
            pltpu.VMEM((40, 128), jnp.int32),
            pltpu.VMEM((128, 128), jnp.float32),
            pltpu.VMEM((128, 128), jnp.float32),
            pltpu.VMEM_SHARED((NACC, 128), jnp.float32),
            pltpu.SemaphoreType.DMA,
            pltpu.SemaphoreType.DMA,
            pltpu.SemaphoreType.DMA,
        ],
    )


def _mm1_body(dt_ref, x_ref, w_ref, out_ref):
    d = dt_ref[:, 0:1] + dt_ref[:, 1:2] + 1.0
    dinv = lax.rsqrt(d)
    h = jnp.dot(x_ref[...], w_ref[...], preferred_element_type=jnp.float32)
    out_ref[0, :, :] = h * dinv


def _mm1(deg_t, x, W1):
    return pl.pallas_call(
        _mm1_body,
        grid=(GRID_M, 2),
        in_specs=[
            pl.BlockSpec((MB, 2), lambda i, j: (i, 0)),
            pl.BlockSpec((MB, DI), lambda i, j: (i, 0)),
            pl.BlockSpec((DI, 128), lambda i, j: (0, j)),
        ],
        out_specs=pl.BlockSpec((1, MB, 128), lambda i, j: (j, i, 0)),
        out_shape=jax.ShapeDtypeStruct((2, N, 128), jnp.float32),
    )(deg_t, x, W1)


def _fin_body(dt_ref, a_ref, w2_ref, b1_ref, b2_ref, out_ref):
    d = dt_ref[:, 0:1] + dt_ref[:, 1:2] + 1.0
    dinv = lax.rsqrt(d)
    zA = a_ref[0] * dinv + b1_ref[0:1, 0:128]
    zB = a_ref[1] * dinv + b1_ref[0:1, 128:256]
    zA = jnp.where(zA > 0, zA, jnp.exp(jnp.minimum(zA, 0.0)) - 1.0)
    zB = jnp.where(zB > 0, zB, jnp.exp(jnp.minimum(zB, 0.0)) - 1.0)
    y = (jnp.dot(zA, w2_ref[0:128, :], preferred_element_type=jnp.float32)
         + jnp.dot(zB, w2_ref[128:256, :], preferred_element_type=jnp.float32)
         + b2_ref[0:1, :])
    y = jnp.maximum(y, 0.0)
    m = jnp.max(y, axis=1, keepdims=True)
    e = y - m
    out_ref[...] = e - jnp.log(jnp.sum(jnp.exp(e), axis=1, keepdims=True))


def _fin(deg_t, agg, W2, b1, b2):
    return pl.pallas_call(
        _fin_body,
        grid=(GRID_M,),
        in_specs=[
            pl.BlockSpec((MB, 2), lambda i: (i, 0)),
            pl.BlockSpec((2, MB, 128), lambda i: (0, i, 0)),
            pl.BlockSpec((DH, DO), lambda i: (0, 0)),
            pl.BlockSpec((1, DH), lambda i: (0, 0)),
            pl.BlockSpec((1, DO), lambda i: (0, 0)),
        ],
        out_specs=pl.BlockSpec((MB, DO), lambda i: (i, 0)),
        out_shape=jax.ShapeDtypeStruct((N, DO), jnp.float32),
    )(deg_t, agg, W2, b1, b2)


def kernel(x, edge_index, W1, b1, W2, b2):
    src = edge_index[0].astype(jnp.int32)
    dst = edge_index[1].astype(jnp.int32)
    pad = E_PAD - E
    src2 = jnp.concatenate([src, jnp.zeros((pad,), jnp.int32)]).reshape(EROWS, 128)
    dummy = DUMMY + (jnp.arange(pad, dtype=jnp.int32) % (NACC - DUMMY))
    dst2 = jnp.concatenate([dst, dummy]).reshape(EROWS, 128)

    deg2 = _deg_call()(dst2)
    deg_t = deg2.reshape(2, NACC).T
    hs3 = _mm1(deg_t, x, W1)
    agg = _agg_call()(hs3.reshape(2 * N, 128), src2, dst2)
    return _fin(deg_t, agg.reshape(2, N, 128), W2,
                b1.reshape(1, DH), b2.reshape(1, DO))

# --- scband reference (transcript-rebuilt; emitter-appended) ---
"""Pipeline reference for scband-gcn-net-1-81243601371613 (READ-ONLY COPY).

The authoritative reference and input builder live on the scoring server;
editing this copy changes nothing except your own understanding.
"""

import jax, jax.numpy as jnp
import numpy as np

N_NODES = 10000
N_EDGES = 160000
D_IN = 256
D_HID = 256
D_OUT = 128


def setup_inputs(seed: int = 0) -> dict:
    key = jax.random.key(seed)
    k1, k2, k3, k4, k5, k6 = jax.random.split(key, 6)
    x = jax.random.normal(k1, (N_NODES, D_IN), dtype=jnp.float32)
    edge_index = jax.random.randint(k2, (2, N_EDGES), 0, N_NODES, dtype=jnp.int64)
    # GCNConv weight (glorot-style scaling) and bias
    W1 = jax.random.normal(k3, (D_IN, D_HID), dtype=jnp.float32) * (1.0 / np.sqrt(D_IN))
    b1 = jnp.zeros((D_HID,), dtype=jnp.float32)
    # Linear layer
    W2 = jax.random.normal(k4, (D_HID, D_OUT), dtype=jnp.float32) * (1.0 / np.sqrt(D_HID))
    b2 = jax.random.normal(k5, (D_OUT,), dtype=jnp.float32) * 0.01
    return {"x": x, "edge_index": edge_index, "W1": W1, "b1": b1, "W2": W2, "b2": b2}


def _gcn_conv(x, edge_index, W, b):
    N = x.shape[0]
    # add self loops
    loop = jnp.arange(N, dtype=edge_index.dtype)
    src = jnp.concatenate([edge_index[0], loop])
    dst = jnp.concatenate([edge_index[1], loop])
    # linear transform first (as in PyG GCNConv)
    h = x @ W
    # symmetric normalization D^{-1/2} (A+I) D^{-1/2}
    deg = jax.ops.segment_sum(jnp.ones_like(dst, dtype=h.dtype), dst, num_segments=N)
    deg_inv_sqrt = jnp.where(deg > 0, jax.lax.rsqrt(jnp.maximum(deg, 1e-12)), 0.0)
    norm = deg_inv_sqrt[src] * deg_inv_sqrt[dst]
    msg = h[src] * norm[:, None]
    out = jax.ops.segment_sum(msg, dst, num_segments=N)
    return out + b


def reference(x, edge_index, W1, b1, W2, b2):
    h = _gcn_conv(x, edge_index, W1, b1)
    h = jax.nn.elu(h)
    h = jax.nn.relu(h @ W2 + b2)
    return jax.nn.log_softmax(h, axis=1)

if __name__ == "__main__":
    import jax
    _d = setup_inputs()
    print(jax.jit(kernel)(*tuple(_d.values())))

</pallas_src>

<mosaic_0001>
#map = affine_map<(d0, d1) -> (0, 0)>
#map1 = affine_map<(d0, d1) -> (0)>
module attributes {stable_mosaic.version = 14 : i64} {
  func.func @_deg_body(%arg0: i32, %arg1: i32, %arg2: memref<1280x128xi32, #tpu.memory_space<hbm>>, %arg3: memref<20480xf32, #tpu.memory_space<hbm>>, %arg4: memref<40x128xi32, #tpu.memory_space<vmem>>, %arg5: memref<128xf32, #tpu.memory_space<vmem>>, %arg6: memref<640xf32, #tpu.memory_space<vmem>>, %arg7: memref<10240xf32, #tpu.memory_space<vmem_shared>>, %arg8: memref<!tpu.dma_semaphore, #tpu.memory_space<semaphore_mem>>) attributes {dimension_semantics = [#tpu.dimension_semantics<core_parallel>, #tpu.dimension_semantics<subcore_parallel>], iteration_bounds = array<i64: 2, 16>, scalar_prefetch = 0 : i64, scratch_operands = 5 : i64, tpu.core_type = #tpu.core_type<sc_vector_subcore>, window_params = [{transform_indices = #map}, {transform_indices = #map1}]} {
    %broadcast_in_dim3A = arith.constant 1.000000e+00 : f32
    %broadcast_in_dim3A_0 = vector.broadcast %broadcast_in_dim3A : f32 to vector<16xf32>
    %swap3A = arith.constant 0 : index
    %swap3A_1 = tpu.vector_load %arg5[%swap3A] {strides = array<i32>} : memref<128xf32, #tpu.memory_space<vmem>>, vector<16xf32>,
    %swap3A_2 = vector.shape_cast %swap3A_1 : vector<16xf32> to vector<16xf32>
    %swap3A_3 = vector.shape_cast %broadcast_in_dim3A_0 : vector<16xf32> to vector<16xf32>
    tpu.vector_store %arg5[%swap3A], %swap3A_3 {strides = array<i32>} : memref<128xf32, #tpu.memory_space<vmem>>, vector<16xf32>,
    %broadcast_in_dim3A_4 = arith.constant 1.000000e+00 : f32
    %broadcast_in_dim3A_5 = vector.broadcast %broadcast_in_dim3A_4 : f32 to vector<16xf32>
    %swap3A_6 = arith.constant 16 : index
    %swap3A_7 = tpu.vector_load %arg5[%swap3A_6] {strides = array<i32>} : memref<128xf32, #tpu.memory_space<vmem>>, vector<16xf32>,
    %swap3A_8 = vector.shape_cast %swap3A_7 : vector<16xf32> to vector<16xf32>
    %swap3A_9 = vector.shape_cast %broadcast_in_dim3A_5 : vector<16xf32> to vector<16xf32>
    tpu.vector_store %arg5[%swap3A_6], %swap3A_9 {strides = array<i32>} : memref<128xf32, #tpu.memory_space<vmem>>, vector<16xf32>,
    %broadcast_in_dim3A_10 = arith.constant 1.000000e+00 : f32
    %broadcast_in_dim3A_11 = vector.broadcast %broadcast_in_dim3A_10 : f32 to vector<16xf32>
    %swap3A_12 = arith.constant 32 : index
    %swap3A_13 = tpu.vector_load %arg5[%swap3A_12] {strides = array<i32>} : memref<128xf32, #tpu.memory_space<vmem>>, vector<16xf32>,
    %swap3A_14 = vector.shape_cast %swap3A_13 : vector<16xf32> to vector<16xf32>
    %swap3A_15 = vector.shape_cast %broadcast_in_dim3A_11 : vector<16xf32> to vector<16xf32>
    tpu.vector_store %arg5[%swap3A_12], %swap3A_15 {strides = array<i32>} : memref<128xf32, #tpu.memory_space<vmem>>, vector<16xf32>,
    %broadcast_in_dim3A_16 = arith.constant 1.000000e+00 : f32
    %broadcast_in_dim3A_17 = vector.broadcast %broadcast_in_dim3A_16 : f32 to vector<16xf32>
    %swap3A_18 = arith.constant 48 : index
    %swap3A_19 = tpu.vector_load %arg5[%swap3A_18] {strides = array<i32>} : memref<128xf32, #tpu.memory_space<vmem>>, vector<16xf32>,
    %swap3A_20 = vector.shape_cast %swap3A_19 : vector<16xf32> to vector<16xf32>
    %swap3A_21 = vector.shape_cast %broadcast_in_dim3A_17 : vector<16xf32> to vector<16xf32>
    tpu.vector_store %arg5[%swap3A_18], %swap3A_21 {strides = array<i32>} : memref<128xf32, #tpu.memory_space<vmem>>, vector<16xf32>,
    %broadcast_in_dim3A_22 = arith.constant 1.000000e+00 : f32
    %broadcast_in_dim3A_23 = vector.broadcast %broadcast_in_dim3A_22 : f32 to vector<16xf32>
    %swap3A_24 = arith.constant 64 : index
    %swap3A_25 = tpu.vector_load %arg5[%swap3A_24] {strides = array<i32>} : memref<128xf32, #tpu.memory_space<vmem>>, vector<16xf32>,
    %swap3A_26 = vector.shape_cast %swap3A_25 : vector<16xf32> to vector<16xf32>
    %swap3A_27 = vector.shape_cast %broadcast_in_dim3A_23 : vector<16xf32> to vector<16xf32>
    tpu.vector_store %arg5[%swap3A_24], %swap3A_27 {strides = array<i32>} : memref<128xf32, #tpu.memory_space<vmem>>, vector<16xf32>,
    %broadcast_in_dim3A_28 = arith.constant 1.000000e+00 : f32
    %broadcast_in_dim3A_29 = vector.broadcast %broadcast_in_dim3A_28 : f32 to vector<16xf32>
    %swap3A_30 = arith.constant 80 : index
    %swap3A_31 = tpu.vector_load %arg5[%swap3A_30] {strides = array<i32>} : memref<128xf32, #tpu.memory_space<vmem>>, vector<16xf32>,
    %swap3A_32 = vector.shape_cast %swap3A_31 : vector<16xf32> to vector<16xf32>
    %swap3A_33 = vector.shape_cast %broadcast_in_dim3A_29 : vector<16xf32> to vector<16xf32>
    tpu.vector_store %arg5[%swap3A_30], %swap3A_33 {strides = array<i32>} : memref<128xf32, #tpu.memory_space<vmem>>, vector<16xf32>,
    %broadcast_in_dim3A_34 = arith.constant 1.000000e+00 : f32
    %broadcast_in_dim3A_35 = vector.broadcast %broadcast_in_dim3A_34 : f32 to vector<16xf32>
    %swap3A_36 = arith.constant 96 : index
    %swap3A_37 = tpu.vector_load %arg5[%swap3A_36] {strides = array<i32>} : memref<128xf32, #tpu.memory_space<vmem>>, vector<16xf32>,
    %swap3A_38 = vector.shape_cast %swap3A_37 : vector<16xf32> to vector<16xf32>
    %swap3A_39 = vector.shape_cast %broadcast_in_dim3A_35 : vector<16xf32> to vector<16xf32>
    tpu.vector_store %arg5[%swap3A_36], %swap3A_39 {strides = array<i32>} : memref<128xf32, #tpu.memory_space<vmem>>, vector<16xf32>,
    %broadcast_in_dim3A_40 = arith.constant 1.000000e+00 : f32
    %broadcast_in_dim3A_41 = vector.broadcast %broadcast_in_dim3A_40 : f32 to vector<16xf32>
    %swap3A_42 = arith.constant 112 : index
    %swap3A_43 = tpu.vector_load %arg5[%swap3A_42] {strides = array<i32>} : memref<128xf32, #tpu.memory_space<vmem>>, vector<16xf32>,
    %swap3A_44 = vector.shape_cast %swap3A_43 : vector<16xf32> to vector<16xf32>
    %swap3A_45 = vector.shape_cast %broadcast_in_dim3A_41 : vector<16xf32> to vector<16xf32>
    tpu.vector_store %arg5[%swap3A_42], %swap3A_45 {strides = array<i32>} : memref<128xf32, #tpu.memory_space<vmem>>, vector<16xf32>,
    %scan3A = arith.constant 0 : i32
    %scan3A_46 = arith.constant 0 : i32
    %scan3A_47 = arith.constant 40 : i32
    %scan3A_48 = arith.addi %scan3A_46, %scan3A_47 : i32
    %scan3A_49 = arith.constant 1 : i32
    %scan3A_50 = scf.for %scan3A_82 = %scan3A_46 to %scan3A_48 step %scan3A_49 iter_args(%scan3A_83 = %scan3A) -> (i32)  : i32 {
      %broadcast_in_dim3A_84 = arith.constant 0.000000e+00 : f32
      %broadcast_in_dim3A_85 = vector.broadcast %broadcast_in_dim3A_84 : f32 to vector<16xf32>
      %mul3A_86 = arith.constant 16 : i32
      %mul3A_87 = arith.muli %scan3A_82, %mul3A_86 : i32
      %swap3A_88 = arith.index_cast %mul3A_87 : i32 to index
      %swap3A_89 = tpu.vector_load %arg6[%swap3A_88] {strides = array<i32>} : memref<640xf32, #tpu.memory_space<vmem>>, vector<16xf32>,
      %swap3A_90 = vector.shape_cast %swap3A_89 : vector<16xf32> to vector<16xf32>
      %swap3A_91 = vector.shape_cast %broadcast_in_dim3A_85 : vector<16xf32> to vector<16xf32>
      tpu.vector_store %arg6[%swap3A_88], %swap3A_91 {strides = array<i32>} : memref<640xf32, #tpu.memory_space<vmem>>, vector<16xf32>,
      %scan3A_92 = arith.constant 0 : i32
      scf.yield %scan3A_92 : i32
    }
    %scan3A_51 = arith.constant 40 : i32
    %mul3A = arith.constant 640 : i32
    %mul3A_52 = arith.muli %arg1, %mul3A : i32
    %multiple_of3A = tpu.assume_multiple %mul3A_52, 8 : i32
    "tpu.region"() ({
      %run_scoped3A = tpu.sem_alloc : memref<!tpu.dma_semaphore, #tpu.memory_space<semaphore_mem>>
      %dma_start3A = tpu.memref_slice %arg7[%multiple_of3A] : memref<10240xf32, #tpu.memory_space<vmem_shared>> -> memref<640xf32, #tpu.memory_space<vmem_shared>>
      %dma_start3A_82 = tpu.memref_slice %arg7[%multiple_of3A] : memref<10240xf32, #tpu.memory_space<vmem_shared>> -> memref<640xf32, #tpu.memory_space<vmem_shared>>
      tpu.enqueue_dma source(%arg6 : memref<640xf32, #tpu.memory_space<vmem>>) target(%dma_start3A_82 : memref<640xf32, #tpu.memory_space<vmem_shared>>) target_semaphore(%run_scoped3A : memref<!tpu.dma_semaphore, #tpu.memory_space<semaphore_mem>>)
      %dma_wait3A = tpu.memref_slice %arg7[%multiple_of3A] : memref<10240xf32, #tpu.memory_space<vmem_shared>> -> memref<640xf32, #tpu.memory_space<vmem_shared>>
      %dma_wait3A_83 = tpu.memref_slice %arg7[%multiple_of3A] : memref<10240xf32, #tpu.memory_space<vmem_shared>> -> memref<640xf32, #tpu.memory_space<vmem_shared>>
      tpu.wait_dma2 semaphore(%run_scoped3A : memref<!tpu.dma_semaphore, #tpu.memory_space<semaphore_mem>>) src(%arg6 : memref<640xf32, #tpu.memory_space<vmem>>) dst(%dma_wait3A_83 : memref<640xf32, #tpu.memory_space<vmem_shared>>)
      tpu.yield
    }) : () -> ()
    %mul3A_53 = arith.constant 640 : i32
    %mul3A_54 = arith.muli %arg0, %mul3A_53 : i32
    %mul3A_55 = arith.constant 40 : i32
    %mul3A_56 = arith.muli %arg1, %mul3A_55 : i32
    %add3A = arith.addi %mul3A_54, %mul3A_56 : i32
    %multiple_of3A_57 = tpu.assume_multiple %add3A, 8 : i32
    "tpu.region"() ({
      %run_scoped3A = tpu.sem_alloc : memref<!tpu.dma_semaphore, #tpu.memory_space<semaphore_mem>>
      %dma_start3A = arith.constant 0 : i32
      %dma_start3A_82 = tpu.memref_slice %arg2[%multiple_of3A_57, %dma_start3A] : memref<1280x128xi32, #tpu.memory_space<hbm>> -> memref<40x128xi32, #tpu.memory_space<hbm>>
      %dma_start3A_83 = arith.constant 0 : i32
      %dma_start3A_84 = tpu.memref_slice %arg2[%multiple_of3A_57, %dma_start3A_83] : memref<1280x128xi32, #tpu.memory_space<hbm>> -> memref<40x128xi32, #tpu.memory_space<hbm>>
      tpu.enqueue_dma source(%dma_start3A_84 : memref<40x128xi32, #tpu.memory_space<hbm>>) target(%arg4 : memref<40x128xi32, #tpu.memory_space<vmem>>) target_semaphore(%run_scoped3A : memref<!tpu.dma_semaphore, #tpu.memory_space<semaphore_mem>>)
      %dma_wait3A = arith.constant 0 : i32
      %dma_wait3A_85 = tpu.memref_slice %arg2[%multiple_of3A_57, %dma_wait3A] : memref<1280x128xi32, #tpu.memory_space<hbm>> -> memref<40x128xi32, #tpu.memory_space<hbm>>
      %dma_wait3A_86 = arith.constant 0 : i32
      %dma_wait3A_87 = tpu.memref_slice %arg2[%multiple_of3A_57, %dma_wait3A_86] : memref<1280x128xi32, #tpu.memory_space<hbm>> -> memref<40x128xi32, #tpu.memory_space<hbm>>
      tpu.wait_dma2 semaphore(%run_scoped3A : memref<!tpu.dma_semaphore, #tpu.memory_space<semaphore_mem>>) src(%dma_wait3A_87 : memref<40x128xi32, #tpu.memory_space<hbm>>) dst(%arg4 : memref<40x128xi32, #tpu.memory_space<vmem>>)
      tpu.yield
    }) : () -> ()
    %barrier3A = arith.constant 0 : index
    tpu.barrier barrier_id(%barrier3A)
    %scan3A_58 = arith.constant 0 : i32
    %scan3A_59 = arith.constant 0 : i32
    %scan3A_60 = arith.constant 40 : i32
    %scan3A_61 = arith.addi %scan3A_59, %scan3A_60 : i32
    %scan3A_62 = arith.constant 1 : i32
    %scan3A_63 = scf.for %scan3A_82 = %scan3A_59 to %scan3A_61 step %scan3A_62 iter_args(%scan3A_83 = %scan3A_58) -> (i32)  : i32 {
      %dma_start3A = arith.constant 0 : i32
      %dma_start3A_84 = tpu.memref_slice %arg4[%scan3A_82, %dma_start3A] : memref<40x128xi32, #tpu.memory_space<vmem>> -> memref<1x128xi32, #tpu.memory_space<vmem>>
      %dma_start3A_85 = tpu.memref_squeeze %dma_start3A_84 : memref<1x128xi32, #tpu.memory_space<vmem>> -> memref<128xi32, #tpu.memory_space<vmem>>
      %dma_start3A_86 = arith.constant 0 : i32
      %dma_start3A_87 = tpu.memref_slice %arg7[%dma_start3A_86] : memref<10240xf32, #tpu.memory_space<vmem_shared>> -> memref<10240xf32, #tpu.memory_space<vmem_shared>>
      tpu.enqueue_indirect_dma source(%arg5 : memref<128xf32, #tpu.memory_space<vmem>>) target(%dma_start3A_87 : memref<10240xf32, #tpu.memory_space<vmem_shared>>) offsets(%dma_start3A_85 : memref<128xi32, #tpu.memory_space<vmem>>) semaphore(%arg8 : memref<!tpu.dma_semaphore, #tpu.memory_space<semaphore_mem>>) {add = true}
      %scan3A_88 = arith.constant 0 : i32
      scf.yield %scan3A_88 : i32
    }
    %scan3A_64 = arith.constant 40 : i32
    %scan3A_65 = arith.constant 0 : i32
    %scan3A_66 = arith.constant 0 : i32
    %scan3A_67 = arith.constant 40 : i32
    %scan3A_68 = arith.addi %scan3A_66, %scan3A_67 : i32
    %scan3A_69 = arith.constant 1 : i32
    %scan3A_70 = scf.for %scan3A_82 = %scan3A_66 to %scan3A_68 step %scan3A_69 iter_args(%scan3A_83 = %scan3A_65) -> (i32)  : i32 {
      %dma_wait3A = arith.constant 0 : i32
      %dma_wait3A_84 = tpu.memref_slice %arg4[%scan3A_82, %dma_wait3A] : memref<40x128xi32, #tpu.memory_space<vmem>> -> memref<1x128xi32, #tpu.memory_space<vmem>>
      %dma_wait3A_85 = tpu.memref_squeeze %dma_wait3A_84 : memref<1x128xi32, #tpu.memory_space<vmem>> -> memref<128xi32, #tpu.memory_space<vmem>>
      %dma_wait3A_86 = arith.constant 0 : i32
      %dma_wait3A_87 = tpu.memref_slice %arg7[%dma_wait3A_86] : memref<10240xf32, #tpu.memory_space<vmem_shared>> -> memref<10240xf32, #tpu.memory_space<vmem_shared>>
      tpu.wait_indirect_dma semaphore(%arg8 : memref<!tpu.dma_semaphore, #tpu.memory_space<semaphore_mem>>) src(%arg5 : memref<128xf32, #tpu.memory_space<vmem>>) dst(%dma_wait3A_87 : memref<10240xf32, #tpu.memory_space<vmem_shared>>)
      %scan3A_88 = arith.constant 0 : i32
      scf.yield %scan3A_88 : i32
    }
    %scan3A_71 = arith.constant 40 : i32
    %barrier3A_72 = arith.constant 0 : index
    tpu.barrier barrier_id(%barrier3A_72)
    %mul3A_73 = arith.constant 640 : i32
    %mul3A_74 = arith.muli %arg1, %mul3A_73 : i32
    %multiple_of3A_75 = tpu.assume_multiple %mul3A_74, 8 : i32
    %mul3A_76 = arith.constant 10240 : i32
    %mul3A_77 = arith.muli %arg0, %mul3A_76 : i32
    %mul3A_78 = arith.constant 640 : i32
    %mul3A_79 = arith.muli %arg1, %mul3A_78 : i32
    %add3A_80 = arith.addi %mul3A_77, %mul3A_79 : i32
    %multiple_of3A_81 = tpu.assume_multiple %add3A_80, 8 : i32
    "tpu.region"() ({
      %run_scoped3A = tpu.sem_alloc : memref<!tpu.dma_semaphore, #tpu.memory_space<semaphore_mem>>
      %dma_start3A = tpu.memref_slice %arg3[%multiple_of3A_81] : memref<20480xf32, #tpu.memory_space<hbm>> -> memref<640xf32, #tpu.memory_space<hbm>>
      %dma_start3A_82 = tpu.memref_slice %arg7[%multiple_of3A_75] : memref<10240xf32, #tpu.memory_space<vmem_shared>> -> memref<640xf32, #tpu.memory_space<vmem_shared>>
      tpu.enqueue_dma source(%dma_start3A_82 : memref<640xf32, #tpu.memory_space<vmem_shared>>) target(%dma_start3A : memref<640xf32, #tpu.memory_space<hbm>>) target_semaphore(%run_scoped3A : memref<!tpu.dma_semaphore, #tpu.memory_space<semaphore_mem>>)
      %dma_wait3A = tpu.memref_slice %arg3[%multiple_of3A_81] : memref<20480xf32, #tpu.memory_space<hbm>> -> memref<640xf32, #tpu.memory_space<hbm>>
      %dma_wait3A_83 = tpu.memref_slice %arg7[%multiple_of3A_75] : memref<10240xf32, #tpu.memory_space<vmem_shared>> -> memref<640xf32, #tpu.memory_space<vmem_shared>>
      tpu.wait_dma2 semaphore(%run_scoped3A : memref<!tpu.dma_semaphore, #tpu.memory_space<semaphore_mem>>) src(%dma_wait3A_83 : memref<640xf32, #tpu.memory_space<vmem_shared>>) dst(%dma_wait3A : memref<640xf32, #tpu.memory_space<hbm>>)
      tpu.yield
    }) : () -> ()
    return
  }
}

#map = affine_map<(d0, d1) -> (0, 0)>
module attributes {stable_mosaic.version = 14 : i64} {
  func.func @_agg_body(%arg0: i32, %arg1: i32, %arg2: memref<20000x128xf32, #tpu.memory_space<hbm>>, %arg3: memref<1280x128xi32, #tpu.memory_space<hbm>>, %arg4: memref<1280x128xi32, #tpu.memory_space<hbm>>, %arg5: memref<20000x128xf32, #tpu.memory_space<hbm>>, %arg6: memref<40x128xi32, #tpu.memory_space<vmem>>, %arg7: memref<40x128xi32, #tpu.memory_space<vmem>>, %arg8: memref<128x128xf32, #tpu.memory_space<vmem>>, %arg9: memref<128x128xf32, #tpu.memory_space<vmem>>, %arg10: memref<10240x128xf32, #tpu.memory_space<vmem_shared>>, %arg11: memref<!tpu.dma_semaphore, #tpu.memory_space<semaphore_mem>>, %arg12: memref<!tpu.dma_semaphore, #tpu.memory_space<semaphore_mem>>, %arg13: memref<!tpu.dma_semaphore, #tpu.memory_space<semaphore_mem>>) attributes {dimension_semantics = [#tpu.dimension_semantics<core_parallel>, #tpu.dimension_semantics<subcore_parallel>], iteration_bounds = array<i64: 2, 16>, scalar_prefetch = 0 : i64, scratch_operands = 8 : i64, tpu.core_type = #tpu.core_type<sc_vector_subcore>, window_params = [{transform_indices = #map}, {transform_indices = #map}, {transform_indices = #map}, {transform_indices = #map}]} {
    %mul3A = arith.constant 624 : i32
    %mul3A_0 = arith.muli %arg1, %mul3A : i32
    %multiple_of3A = tpu.assume_multiple %mul3A_0, 8 : i32
    %mul3A_1 = arith.constant 10000 : i32
    %mul3A_2 = arith.muli %arg0, %mul3A_1 : i32
    %add3A = arith.addi %mul3A_2, %multiple_of3A : i32
    %multiple_of3A_3 = tpu.assume_multiple %add3A, 8 : i32
    %dma_start3A = arith.constant 0 : i32
    %dma_start3A_4 = tpu.memref_slice %arg10[%multiple_of3A, %dma_start3A] : memref<10240x128xf32, #tpu.memory_space<vmem_shared>> -> memref<624x128xf32, #tpu.memory_space<vmem_shared>>
    %dma_start3A_5 = arith.constant 0 : i32
    %dma_start3A_6 = tpu.memref_slice %arg2[%multiple_of3A_3, %dma_start3A_5] : memref<20000x128xf32, #tpu.memory_space<hbm>> -> memref<624x128xf32, #tpu.memory_space<hbm>>
    tpu.enqueue_dma source(%dma_start3A_6 : memref<624x128xf32, #tpu.memory_space<hbm>>) target(%dma_start3A_4 : memref<624x128xf32, #tpu.memory_space<vmem_shared>>) target_semaphore(%arg13 : memref<!tpu.dma_semaphore, #tpu.memory_space<semaphore_mem>>)
    %eq3A = arith.constant 15 : i32
    %eq3A_7 = arith.cmpi eq, %arg1, %eq3A : i32
    %convert_element_type3A = arith.extui %eq3A_7 : i1 to i32
    %cond3A = arith.constant 0 : i32
    %cond3A_8 = arith.cmpi ne, %convert_element_type3A, %cond3A : i32
    scf.if %cond3A_8 {
      %mul3A_79 = arith.constant 10000 : i32
      %mul3A_80 = arith.muli %arg0, %mul3A_79 : i32
      %add3A_81 = arith.constant 9984 : i32
      %add3A_82 = arith.addi %mul3A_80, %add3A_81 : i32
      %multiple_of3A_83 = tpu.assume_multiple %add3A_82, 8 : i32
      "tpu.region"() ({
        %run_scoped3A = tpu.sem_alloc : memref<!tpu.dma_semaphore, #tpu.memory_space<semaphore_mem>>
        %dma_start3A_84 = arith.constant 9984 : i32
        %dma_start3A_85 = arith.constant 0 : i32
        %dma_start3A_86 = tpu.memref_slice %arg10[%dma_start3A_84, %dma_start3A_85] : memref<10240x128xf32, #tpu.memory_space<vmem_shared>> -> memref<16x128xf32, #tpu.memory_space<vmem_shared>>
        %dma_start3A_87 = arith.constant 0 : i32
        %dma_start3A_88 = tpu.memref_slice %arg2[%multiple_of3A_83, %dma_start3A_87] : memref<20000x128xf32, #tpu.memory_space<hbm>> -> memref<16x128xf32, #tpu.memory_space<hbm>>
        tpu.enqueue_dma source(%dma_start3A_88 : memref<16x128xf32, #tpu.memory_space<hbm>>) target(%dma_start3A_86 : memref<16x128xf32, #tpu.memory_space<vmem_shared>>) target_semaphore(%run_scoped3A : memref<!tpu.dma_semaphore, #tpu.memory_space<semaphore_mem>>)
        %dma_wait3A_89 = arith.constant 9984 : i32
        %dma_wait3A_90 = arith.constant 0 : i32
        %dma_wait3A_91 = tpu.memref_slice %arg10[%dma_wait3A_89, %dma_wait3A_90] : memref<10240x128xf32, #tpu.memory_space<vmem_shared>> -> memref<16x128xf32, #tpu.memory_space<vmem_shared>>
        %dma_wait3A_92 = arith.constant 0 : i32
        %dma_wait3A_93 = tpu.memref_slice %arg2[%multiple_of3A_83, %dma_wait3A_92] : memref<20000x128xf32, #tpu.memory_space<hbm>> -> memref<16x128xf32, #tpu.memory_space<hbm>>
        tpu.wait_dma2 semaphore(%run_scoped3A : memref<!tpu.dma_semaphore, #tpu.memory_space<semaphore_mem>>) src(%dma_wait3A_93 : memref<16x128xf32, #tpu.memory_space<hbm>>) dst(%dma_wait3A_91 : memref<16x128xf32, #tpu.memory_space<vmem_shared>>)
        tpu.yield
      }) : () -> ()
    } else {
    }
    %mul3A_9 = arith.constant 10000 : i32
    %mul3A_10 = arith.muli %arg0, %mul3A_9 : i32
    %mul3A_11 = arith.constant 80 : i32
    %mul3A_12 = arith.muli %arg1, %mul3A_11 : i32
    %add3A_13 = arith.constant 0 : i32
    %add3A_14 = arith.addi %mul3A_12, %add3A_13 : i32
    %multiple_of3A_15 = tpu.assume_multiple %add3A_14, 8 : i32
    "tpu.region"() ({
      %run_scoped3A = tpu.sem_alloc : memref<!tpu.dma_semaphore, #tpu.memory_space<semaphore_mem>>
      %dma_start3A_79 = arith.constant 0 : i32
      %dma_start3A_80 = tpu.memref_slice %arg3[%multiple_of3A_15, %dma_start3A_79] : memref<1280x128xi32, #tpu.memory_space<hbm>> -> memref<40x128xi32, #tpu.memory_space<hbm>>
      %dma_start3A_81 = arith.constant 0 : i32
      %dma_start3A_82 = tpu.memref_slice %arg3[%multiple_of3A_15, %dma_start3A_81] : memref<1280x128xi32, #tpu.memory_space<hbm>> -> memref<40x128xi32, #tpu.memory_space<hbm>>
      tpu.enqueue_dma source(%dma_start3A_82 : memref<40x128xi32, #tpu.memory_space<hbm>>) target(%arg6 : memref<40x128xi32, #tpu.memory_space<vmem>>) target_semaphore(%run_scoped3A : memref<!tpu.dma_semaphore, #tpu.memory_space<semaphore_mem>>)
      %dma_wait3A_83 = arith.constant 0 : i32
      %dma_wait3A_84 = tpu.memref_slice %arg3[%multiple_of3A_15, %dma_wait3A_83] : memref<1280x128xi32, #tpu.memory_space<hbm>> -> memref<40x128xi32, #tpu.memory_space<hbm>>
      %dma_wait3A_85 = arith.constant 0 : i32
      %dma_wait3A_86 = tpu.memref_slice %arg3[%multiple_of3A_15, %dma_wait3A_85] : memref<1280x128xi32, #tpu.memory_space<hbm>> -> memref<40x128xi32, #tpu.memory_space<hbm>>
      tpu.wait_dma2 semaphore(%run_scoped3A : memref<!tpu.dma_semaphore, #tpu.memory_space<semaphore_mem>>) src(%dma_wait3A_86 : memref<40x128xi32, #tpu.memory_space<hbm>>) dst(%arg6 : memref<40x128xi32, #tpu.memory_space<vmem>>)
      tpu.yield
    }) : () -> ()
    "tpu.region"() ({
      %run_scoped3A = tpu.sem_alloc : memref<!tpu.dma_semaphore, #tpu.memory_space<semaphore_mem>>
      %dma_start3A_79 = arith.constant 0 : i32
      %dma_start3A_80 = tpu.memref_slice %arg4[%multiple_of3A_15, %dma_start3A_79] : memref<1280x128xi32, #tpu.memory_space<hbm>> -> memref<40x128xi32, #tpu.memory_space<hbm>>
      %dma_start3A_81 = arith.constant 0 : i32
      %dma_start3A_82 = tpu.memref_slice %arg4[%multiple_of3A_15, %dma_start3A_81] : memref<1280x128xi32, #tpu.memory_space<hbm>> -> memref<40x128xi32, #tpu.memory_space<hbm>>
      tpu.enqueue_dma source(%dma_start3A_82 : memref<40x128xi32, #tpu.memory_space<hbm>>) target(%arg7 : memref<40x128xi32, #tpu.memory_space<vmem>>) target_semaphore(%run_scoped3A : memref<!tpu.dma_semaphore, #tpu.memory_space<semaphore_mem>>)
      %dma_wait3A_83 = arith.constant 0 : i32
      %dma_wait3A_84 = tpu.memref_slice %arg4[%multiple_of3A_15, %dma_wait3A_83] : memref<1280x128xi32, #tpu.memory_space<hbm>> -> memref<40x128xi32, #tpu.memory_space<hbm>>
      %dma_wait3A_85 = arith.constant 0 : i32
      %dma_wait3A_86 = tpu.memref_slice %arg4[%multiple_of3A_15, %dma_wait3A_85] : memref<1280x128xi32, #tpu.memory_space<hbm>> -> memref<40x128xi32, #tpu.memory_space<hbm>>
      tpu.wait_dma2 semaphore(%run_scoped3A : memref<!tpu.dma_semaphore, #tpu.memory_space<semaphore_mem>>) src(%dma_wait3A_86 : memref<40x128xi32, #tpu.memory_space<hbm>>) dst(%arg7 : memref<40x128xi32, #tpu.memory_space<vmem>>)
      tpu.yield
    }) : () -> ()
    %scan3A = arith.constant 0 : i32
    %scan3A_16 = arith.constant 0 : i32
    %scan3A_17 = arith.constant 40 : i32
    %scan3A_18 = arith.addi %scan3A_16, %scan3A_17 : i32
    %scan3A_19 = arith.constant 1 : i32
    %scan3A_20 = scf.for %scan3A_79 = %scan3A_16 to %scan3A_18 step %scan3A_19 iter_args(%scan3A_80 = %scan3A) -> (i32)  : i32 {
      %get3A = arith.index_cast %scan3A_79 : i32 to index
      %get3A_81 = arith.constant 0 : index
      %get3A_82 = tpu.vector_load %arg6[%get3A, %get3A_81] {strides = array<i32>} : memref<40x128xi32, #tpu.memory_space<vmem>>, vector<1x16xi32>,
      %get3A_83 = vector.shape_cast %get3A_82 : vector<1x16xi32> to vector<16xi32>
      %add3A_84 = vector.broadcast %mul3A_10 : i32 to vector<16xi32>
      %add3A_85 = arith.addi %get3A_83, %add3A_84 : vector<16xi32>
      %swap3A = arith.index_cast %scan3A_79 : i32 to index
      %swap3A_86 = arith.constant 0 : index
      %swap3A_87 = tpu.vector_load %arg6[%swap3A, %swap3A_86] {strides = array<i32>} : memref<40x128xi32, #tpu.memory_space<vmem>>, vector<1x16xi32>,
      %swap3A_88 = vector.shape_cast %swap3A_87 : vector<1x16xi32> to vector<16xi32>
      %swap3A_89 = vector.shape_cast %add3A_85 : vector<16xi32> to vector<1x16xi32>
      tpu.vector_store %arg6[%swap3A, %swap3A_86], %swap3A_89 {strides = array<i32>} : memref<40x128xi32, #tpu.memory_space<vmem>>, vector<1x16xi32>,
      %get3A_90 = arith.index_cast %scan3A_79 : i32 to index
      %get3A_91 = arith.constant 16 : index
      %get3A_92 = tpu.vector_load %arg6[%get3A_90, %get3A_91] {strides = array<i32>} : memref<40x128xi32, #tpu.memory_space<vmem>>, vector<1x16xi32>,
      %get3A_93 = vector.shape_cast %get3A_92 : vector<1x16xi32> to vector<16xi32>
      %add3A_94 = vector.broadcast %mul3A_10 : i32 to vector<16xi32>
      %add3A_95 = arith.addi %get3A_93, %add3A_94 : vector<16xi32>
      %swap3A_96 = arith.index_cast %scan3A_79 : i32 to index
      %swap3A_97 = arith.constant 16 : index
      %swap3A_98 = tpu.vector_load %arg6[%swap3A_96, %swap3A_97] {strides = array<i32>} : memref<40x128xi32, #tpu.memory_space<vmem>>, vector<1x16xi32>,
      %swap3A_99 = vector.shape_cast %swap3A_98 : vector<1x16xi32> to vector<16xi32>
      %swap3A_100 = vector.shape_cast %add3A_95 : vector<16xi32> to vector<1x16xi32>
      tpu.vector_store %arg6[%swap3A_96, %swap3A_97], %swap3A_100 {strides = array<i32>} : memref<40x128xi32, #tpu.memory_space<vmem>>, vector<1x16xi32>,
      %get3A_101 = arith.index_cast %scan3A_79 : i32 to index
      %get3A_102 = arith.constant 32 : index
      %get3A_103 = tpu.vector_load %arg6[%get3A_101, %get3A_102] {strides = array<i32>} : memref<40x128xi32, #tpu.memory_space<vmem>>, vector<1x16xi32>,
      %get3A_104 = vector.shape_cast %get3A_103 : vector<1x16xi32> to vector<16xi32>
      %add3A_105 = vector.broadcast %mul3A_10 : i32 to vector<16xi32>
      %add3A_106 = arith.addi %get3A_104, %add3A_105 : vector<16xi32>
      %swap3A_107 = arith.index_cast %scan3A_79 : i32 to index
      %swap3A_108 = arith.constant 32 : index
      %swap3A_109 = tpu.vector_load %arg6[%swap3A_107, %swap3A_108] {strides = array<i32>} : memref<40x128xi32, #tpu.memory_space<vmem>>, vector<1x16xi32>,
      %swap3A_110 = vector.shape_cast %swap3A_109 : vector<1x16xi32> to vector<16xi32>
      %swap3A_111 = vector.shape_cast %add3A_106 : vector<16xi32> to vector<1x16xi32>
      tpu.vector_store %arg6[%swap3A_107, %swap3A_108], %swap3A_111 {strides = array<i32>} : memref<40x128xi32, #tpu.memory_space<vmem>>, vector<1x16xi32>,
      %get3A_112 = arith.index_cast %scan3A_79 : i32 to index
      %get3A_113 = arith.constant 48 : index
      %get3A_114 = tpu.vector_load %arg6[%get3A_112, %get3A_113] {strides = array<i32>} : memref<40x128xi32, #tpu.memory_space<vmem>>, vector<1x16xi32>,
      %get3A_115 = vector.shape_cast %get3A_114 : vector<1x16xi32> to vector<16xi32>
      %add3A_116 = vector.broadcast %mul3A_10 : i32 to vector<16xi32>
      %add3A_117 = arith.addi %get3A_115, %add3A_116 : vector<16xi32>
      %swap3A_118 = arith.index_cast %scan3A_79 : i32 to index
      %swap3A_119 = arith.constant 48 : index
      %swap3A_120 = tpu.vector_load %arg6[%swap3A_118, %swap3A_119] {strides = array<i32>} : memref<40x128xi32, #tpu.memory_space<vmem>>, vector<1x16xi32>,
      %swap3A_121 = vector.shape_cast %swap3A_120 : vector<1x16xi32> to vector<16xi32>
      %swap3A_122 = vector.shape_cast %add3A_117 : vector<16xi32> to vector<1x16xi32>
      tpu.vector_store %arg6[%swap3A_118, %swap3A_119], %swap3A_122 {strides = array<i32>} : memref<40x128xi32, #tpu.memory_space<vmem>>, vector<1x16xi32>,
      %get3A_123 = arith.index_cast %scan3A_79 : i32 to index
      %get3A_124 = arith.constant 64 : index
      %get3A_125 = tpu.vector_load %arg6[%get3A_123, %get3A_124] {strides = array<i32>} : memref<40x128xi32, #tpu.memory_space<vmem>>, vector<1x16xi32>,
      %get3A_126 = vector.shape_cast %get3A_125 : vector<1x16xi32> to vector<16xi32>
      %add3A_127 = vector.broadcast %mul3A_10 : i32 to vector<16xi32>
      %add3A_128 = arith.addi %get3A_126, %add3A_127 : vector<16xi32>
      %swap3A_129 = arith.index_cast %scan3A_79 : i32 to index
      %swap3A_130 = arith.constant 64 : index
      %swap3A_131 = tpu.vector_load %arg6[%swap3A_129, %swap3A_130] {strides = array<i32>} : memref<40x128xi32, #tpu.memory_space<vmem>>, vector<1x16xi32>,
      %swap3A_132 = vector.shape_cast %swap3A_131 : vector<1x16xi32> to vector<16xi32>
      %swap3A_133 = vector.shape_cast %add3A_128 : vector<16xi32> to vector<1x16xi32>
      tpu.vector_store %arg6[%swap3A_129, %swap3A_130], %swap3A_133 {strides = array<i32>} : memref<40x128xi32, #tpu.memory_space<vmem>>, vector<1x16xi32>,
      %get3A_134 = arith.index_cast %scan3A_79 : i32 to index
      %get3A_135 = arith.constant 80 : index
      %get3A_136 = tpu.vector_load %arg6[%get3A_134, %get3A_135] {strides = array<i32>} : memref<40x128xi32, #tpu.memory_space<vmem>>, vector<1x16xi32>,
      %get3A_137 = vector.shape_cast %get3A_136 : vector<1x16xi32> to vector<16xi32>
      %add3A_138 = vector.broadcast %mul3A_10 : i32 to vector<16xi32>
      %add3A_139 = arith.addi %get3A_137, %add3A_138 : vector<16xi32>
      %swap3A_140 = arith.index_cast %scan3A_79 : i32 to index
      %swap3A_141 = arith.constant 80 : index
      %swap3A_142 = tpu.vector_load %arg6[%swap3A_140, %swap3A_141] {strides = array<i32>} : memref<40x128xi32, #tpu.memory_space<vmem>>, vector<1x16xi32>,
      %swap3A_143 = vector.shape_cast %swap3A_142 : vector<1x16xi32> to vector<16xi32>
      %swap3A_144 = vector.shape_cast %add3A_139 : vector<16xi32> to vector<1x16xi32>
      tpu.vector_store %arg6[%swap3A_140, %swap3A_141], %swap3A_144 {strides = array<i32>} : memref<40x128xi32, #tpu.memory_space<vmem>>, vector<1x16xi32>,
      %get3A_145 = arith.index_cast %scan3A_79 : i32 to index
      %get3A_146 = arith.constant 96 : index
      %get3A_147 = tpu.vector_load %arg6[%get3A_145, %get3A_146] {strides = array<i32>} : memref<40x128xi32, #tpu.memory_space<vmem>>, vector<1x16xi32>,
      %get3A_148 = vector.shape_cast %get3A_147 : vector<1x16xi32> to vector<16xi32>
      %add3A_149 = vector.broadcast %mul3A_10 : i32 to vector<16xi32>
      %add3A_150 = arith.addi %get3A_148, %add3A_149 : vector<16xi32>
      %swap3A_151 = arith.index_cast %scan3A_79 : i32 to index
      %swap3A_152 = arith.constant 96 : index
      %swap3A_153 = tpu.vector_load %arg6[%swap3A_151, %swap3A_152] {strides = array<i32>} : memref<40x128xi32, #tpu.memory_space<vmem>>, vector<1x16xi32>,
      %swap3A_154 = vector.shape_cast %swap3A_153 : vector<1x16xi32> to vector<16xi32>
      %swap3A_155 = vector.shape_cast %add3A_150 : vector<16xi32> to vector<1x16xi32>
      tpu.vector_store %arg6[%swap3A_151, %swap3A_152], %swap3A_155 {strides = array<i32>} : memref<40x128xi32, #tpu.memory_space<vmem>>, vector<1x16xi32>,
      %get3A_156 = arith.index_cast %scan3A_79 : i32 to index
      %get3A_157 = arith.constant 112 : index
      %get3A_158 = tpu.vector_load %arg6[%get3A_156, %get3A_157] {strides = array<i32>} : memref<40x128xi32, #tpu.memory_space<vmem>>, vector<1x16xi32>,
      %get3A_159 = vector.shape_cast %get3A_158 : vector<1x16xi32> to vector<16xi32>
      %add3A_160 = vector.broadcast %mul3A_10 : i32 to vector<16xi32>
      %add3A_161 = arith.addi %get3A_159, %add3A_160 : vector<16xi32>
      %swap3A_162 = arith.index_cast %scan3A_79 : i32 to index
      %swap3A_163 = arith.constant 112 : index
      %swap3A_164 = tpu.vector_load %arg6[%swap3A_162, %swap3A_163] {strides = array<i32>} : memref<40x128xi32, #tpu.memory_space<vmem>>, vector<1x16xi32>,
      %swap3A_165 = vector.shape_cast %swap3A_164 : vector<1x16xi32> to vector<16xi32>
      %swap3A_166 = vector.shape_cast %add3A_161 : vector<16xi32> to vector<1x16xi32>
      tpu.vector_store %arg6[%swap3A_162, %swap3A_163], %swap3A_166 {strides = array<i32>} : memref<40x128xi32, #tpu.memory_space<vmem>>, vector<1x16xi32>,
      %scan3A_167 = arith.constant 0 : i32
      scf.yield %scan3A_167 : i32
    }
    %scan3A_21 = arith.constant 40 : i32
    %dma_start3A_22 = arith.constant 0 : i32
    %dma_start3A_23 = arith.constant 0 : i32
    %dma_start3A_24 = tpu.memref_slice %arg6[%dma_start3A_22, %dma_start3A_23] : memref<40x128xi32, #tpu.memory_space<vmem>> -> memref<1x128xi32, #tpu.memory_space<vmem>>
    %dma_start3A_25 = tpu.memref_squeeze %dma_start3A_24 : memref<1x128xi32, #tpu.memory_space<vmem>> -> memref<128xi32, #tpu.memory_space<vmem>>
    %dma_start3A_26 = arith.constant 0 : i32
    %dma_start3A_27 = arith.constant 0 : i32
    %dma_start3A_28 = tpu.memref_slice %arg2[%dma_start3A_26, %dma_start3A_27] : memref<20000x128xf32, #tpu.memory_space<hbm>> -> memref<20000x128xf32, #tpu.memory_space<hbm>>
    tpu.enqueue_indirect_dma source(%dma_start3A_28 : memref<20000x128xf32, #tpu.memory_space<hbm>>) target(%arg8 : memref<128x128xf32, #tpu.memory_space<vmem>>) offsets(%dma_start3A_25 : memref<128xi32, #tpu.memory_space<vmem>>) semaphore(%arg11 : memref<!tpu.dma_semaphore, #tpu.memory_space<semaphore_mem>>)
    %mul3A_29 = arith.constant 10000 : i32
    %mul3A_30 = arith.muli %arg0, %mul3A_29 : i32
    %add3A_31 = arith.addi %mul3A_30, %multiple_of3A : i32
    %multiple_of3A_32 = tpu.assume_multiple %add3A_31, 8 : i32
    %dma_wait3A = arith.constant 0 : i32
    %dma_wait3A_33 = tpu.memref_slice %arg10[%multiple_of3A, %dma_wait3A] : memref<10240x128xf32, #tpu.memory_space<vmem_shared>> -> memref<624x128xf32, #tpu.memory_space<vmem_shared>>
    %dma_wait3A_34 = arith.constant 0 : i32
    %dma_wait3A_35 = tpu.memref_slice %arg2[%multiple_of3A_32, %dma_wait3A_34] : memref<20000x128xf32, #tpu.memory_space<hbm>> -> memref<624x128xf32, #tpu.memory_space<hbm>>
    tpu.wait_dma2 semaphore(%arg13 : memref<!tpu.dma_semaphore, #tpu.memory_space<semaphore_mem>>) src(%dma_wait3A_35 : memref<624x128xf32, #tpu.memory_space<hbm>>) dst(%dma_wait3A_33 : memref<624x128xf32, #tpu.memory_space<vmem_shared>>)
    %barrier3A = arith.constant 0 : index
    tpu.barrier barrier_id(%barrier3A)
    %scan3A_36 = arith.constant 0 : i32
    %scan3A_37 = arith.constant 0 : i32
    %scan3A_38 = arith.constant 20 : i32
    %scan3A_39 = arith.addi %scan3A_37, %scan3A_38 : i32
    %scan3A_40 = arith.constant 1 : i32
    %scan3A_41 = scf.for %scan3A_79 = %scan3A_37 to %scan3A_39 step %scan3A_40 iter_args(%scan3A_80 = %scan3A_36) -> (i32)  : i32 {
      %mul3A_81 = arith.constant 2 : i32
      %mul3A_82 = arith.muli %mul3A_81, %scan3A_79 : i32
      %mul3A_83 = arith.constant 2 : i32
      %mul3A_84 = arith.muli %mul3A_83, %scan3A_79 : i32
      %add3A_85 = arith.constant 1 : i32
      %add3A_86 = arith.addi %mul3A_84, %add3A_85 : i32
      %dma_start3A_87 = arith.constant 0 : i32
      %dma_start3A_88 = tpu.memref_slice %arg6[%add3A_86, %dma_start3A_87] : memref<40x128xi32, #tpu.memory_space<vmem>> -> memref<1x128xi32, #tpu.memory_space<vmem>>
      %dma_start3A_89 = tpu.memref_squeeze %dma_start3A_88 : memref<1x128xi32, #tpu.memory_space<vmem>> -> memref<128xi32, #tpu.memory_space<vmem>>
      %dma_start3A_90 = arith.constant 0 : i32
      %dma_start3A_91 = arith.constant 0 : i32
      %dma_start3A_92 = tpu.memref_slice %arg2[%dma_start3A_90, %dma_start3A_91] : memref<20000x128xf32, #tpu.memory_space<hbm>> -> memref<20000x128xf32, #tpu.memory_space<hbm>>
      tpu.enqueue_indirect_dma source(%dma_start3A_92 : memref<20000x128xf32, #tpu.memory_space<hbm>>) target(%arg9 : memref<128x128xf32, #tpu.memory_space<vmem>>) offsets(%dma_start3A_89 : memref<128xi32, #tpu.memory_space<vmem>>) semaphore(%arg12 : memref<!tpu.dma_semaphore, #tpu.memory_space<semaphore_mem>>)
      %dma_wait3A_93 = arith.constant 0 : i32
      %dma_wait3A_94 = tpu.memref_slice %arg6[%mul3A_82, %dma_wait3A_93] : memref<40x128xi32, #tpu.memory_space<vmem>> -> memref<1x128xi32, #tpu.memory_space<vmem>>
      %dma_wait3A_95 = tpu.memref_squeeze %dma_wait3A_94 : memref<1x128xi32, #tpu.memory_space<vmem>> -> memref<128xi32, #tpu.memory_space<vmem>>
      %dma_wait3A_96 = arith.constant 0 : i32
      %dma_wait3A_97 = arith.constant 0 : i32
      %dma_wait3A_98 = tpu.memref_slice %arg2[%dma_wait3A_96, %dma_wait3A_97] : memref<20000x128xf32, #tpu.memory_space<hbm>> -> memref<20000x128xf32, #tpu.memory_space<hbm>>
      tpu.wait_indirect_dma semaphore(%arg11 : memref<!tpu.dma_semaphore, #tpu.memory_space<semaphore_mem>>) src(%dma_wait3A_98 : memref<20000x128xf32, #tpu.memory_space<hbm>>) dst(%arg8 : memref<128x128xf32, #tpu.memory_space<vmem>>)
      "tpu.region"() ({
        %run_scoped3A = tpu.sem_alloc : memref<!tpu.dma_semaphore, #tpu.memory_space<semaphore_mem>>
        %dma_start3A_112 = arith.constant 0 : i32
        %dma_start3A_113 = tpu.memref_slice %arg7[%mul3A_82, %dma_start3A_112] : memref<40x128xi32, #tpu.memory_space<vmem>> -> memref<1x128xi32, #tpu.memory_space<vmem>>
        %dma_start3A_114 = tpu.memref_squeeze %dma_start3A_113 : memref<1x128xi32, #tpu.memory_space<vmem>> -> memref<128xi32, #tpu.memory_space<vmem>>
        %dma_start3A_115 = arith.constant 0 : i32
        %dma_start3A_116 = arith.constant 0 : i32
        %dma_start3A_117 = tpu.memref_slice %arg10[%dma_start3A_115, %dma_start3A_116] : memref<10240x128xf32, #tpu.memory_space<vmem_shared>> -> memref<10240x128xf32, #tpu.memory_space<vmem_shared>>
        tpu.enqueue_indirect_dma source(%arg8 : memref<128x128xf32, #tpu.memory_space<vmem>>) target(%dma_start3A_117 : memref<10240x128xf32, #tpu.memory_space<vmem_shared>>) offsets(%dma_start3A_114 : memref<128xi32, #tpu.memory_space<vmem>>) semaphore(%run_scoped3A : memref<!tpu.dma_semaphore, #tpu.memory_space<semaphore_mem>>) {add = true}
        %dma_wait3A_118 = arith.constant 0 : i32
        %dma_wait3A_119 = tpu.memref_slice %arg7[%mul3A_82, %dma_wait3A_118] : memref<40x128xi32, #tpu.memory_space<vmem>> -> memref<1x128xi32, #tpu.memory_space<vmem>>
        %dma_wait3A_120 = tpu.memref_squeeze %dma_wait3A_119 : memref<1x128xi32, #tpu.memory_space<vmem>> -> memref<128xi32, #tpu.memory_space<vmem>>
        %dma_wait3A_121 = arith.constant 0 : i32
        %dma_wait3A_122 = arith.constant 0 : i32
        %dma_wait3A_123 = tpu.memref_slice %arg10[%dma_wait3A_121, %dma_wait3A_122] : memref<10240x128xf32, #tpu.memory_space<vmem_shared>> -> memref<10240x128xf32, #tpu.memory_space<vmem_shared>>
        tpu.wait_indirect_dma semaphore(%run_scoped3A : memref<!tpu.dma_semaphore, #tpu.memory_space<semaphore_mem>>) src(%arg8 : memref<128x128xf32, #tpu.memory_space<vmem>>) dst(%dma_wait3A_123 : memref<10240x128xf32, #tpu.memory_space<vmem_shared>>)
        tpu.yield
      }) : () -> ()
      %add3A_99 = arith.constant 1 : i32
      %add3A_100 = arith.addi %add3A_86, %add3A_99 : i32
      %lt3A = arith.constant 40 : i32
      %lt3A_101 = arith.cmpi slt, %add3A_100, %lt3A : i32
      %convert_element_type3A_102 = arith.extui %lt3A_101 : i1 to i32
      %cond3A_103 = arith.constant 0 : i32
      %cond3A_104 = arith.cmpi ne, %convert_element_type3A_102, %cond3A_103 : i32
      scf.if %cond3A_104 {
        %add3A_112 = arith.constant 1 : i32
        %add3A_113 = arith.addi %add3A_86, %add3A_112 : i32
        %dma_start3A_114 = arith.constant 0 : i32
        %dma_start3A_115 = tpu.memref_slice %arg6[%add3A_113, %dma_start3A_114] : memref<40x128xi32, #tpu.memory_space<vmem>> -> memref<1x128xi32, #tpu.memory_space<vmem>>
        %dma_start3A_116 = tpu.memref_squeeze %dma_start3A_115 : memref<1x128xi32, #tpu.memory_space<vmem>> -> memref<128xi32, #tpu.memory_space<vmem>>
        %dma_start3A_117 = arith.constant 0 : i32
        %dma_start3A_118 = arith.constant 0 : i32
        %dma_start3A_119 = tpu.memref_slice %arg2[%dma_start3A_117, %dma_start3A_118] : memref<20000x128xf32, #tpu.memory_space<hbm>> -> memref<20000x128xf32, #tpu.memory_space<hbm>>
        tpu.enqueue_indirect_dma source(%dma_start3A_119 : memref<20000x128xf32, #tpu.memory_space<hbm>>) target(%arg8 : memref<128x128xf32, #tpu.memory_space<vmem>>) offsets(%dma_start3A_116 : memref<128xi32, #tpu.memory_space<vmem>>) semaphore(%arg11 : memref<!tpu.dma_semaphore, #tpu.memory_space<semaphore_mem>>)
      } else {
      }
      %dma_wait3A_105 = arith.constant 0 : i32
      %dma_wait3A_106 = tpu.memref_slice %arg6[%add3A_86, %dma_wait3A_105] : memref<40x128xi32, #tpu.memory_space<vmem>> -> memref<1x128xi32, #tpu.memory_space<vmem>>
      %dma_wait3A_107 = tpu.memref_squeeze %dma_wait3A_106 : memref<1x128xi32, #tpu.memory_space<vmem>> -> memref<128xi32, #tpu.memory_space<vmem>>
      %dma_wait3A_108 = arith.constant 0 : i32
      %dma_wait3A_109 = arith.constant 0 : i32
      %dma_wait3A_110 = tpu.memref_slice %arg2[%dma_wait3A_108, %dma_wait3A_109] : memref<20000x128xf32, #tpu.memory_space<hbm>> -> memref<20000x128xf32, #tpu.memory_space<hbm>>
      tpu.wait_indirect_dma semaphore(%arg12 : memref<!tpu.dma_semaphore, #tpu.memory_space<semaphore_mem>>) src(%dma_wait3A_110 : memref<20000x128xf32, #tpu.memory_space<hbm>>) dst(%arg9 : memref<128x128xf32, #tpu.memory_space<vmem>>)
      "tpu.region"() ({
        %run_scoped3A = tpu.sem_alloc : memref<!tpu.dma_semaphore, #tpu.memory_space<semaphore_mem>>
        %dma_start3A_112 = arith.constant 0 : i32
        %dma_start3A_113 = tpu.memref_slice %arg7[%add3A_86, %dma_start3A_112] : memref<40x128xi32, #tpu.memory_space<vmem>> -> memref<1x128xi32, #tpu.memory_space<vmem>>
        %dma_start3A_114 = tpu.memref_squeeze %dma_start3A_113 : memref<1x128xi32, #tpu.memory_space<vmem>> -> memref<128xi32, #tpu.memory_space<vmem>>
        %dma_start3A_115 = arith.constant 0 : i32
        %dma_start3A_116 = arith.constant 0 : i32
        %dma_start3A_117 = tpu.memref_slice %arg10[%dma_start3A_115, %dma_start3A_116] : memref<10240x128xf32, #tpu.memory_space<vmem_shared>> -> memref<10240x128xf32, #tpu.memory_space<vmem_shared>>
        tpu.enqueue_indirect_dma source(%arg9 : memref<128x128xf32, #tpu.memory_space<vmem>>) target(%dma_start3A_117 : memref<10240x128xf32, #tpu.memory_space<vmem_shared>>) offsets(%dma_start3A_114 : memref<128xi32, #tpu.memory_space<vmem>>) semaphore(%run_scoped3A : memref<!tpu.dma_semaphore, #tpu.memory_space<semaphore_mem>>) {add = true}
        %dma_wait3A_118 = arith.constant 0 : i32
        %dma_wait3A_119 = tpu.memref_slice %arg7[%add3A_86, %dma_wait3A_118] : memref<40x128xi32, #tpu.memory_space<vmem>> -> memref<1x128xi32, #tpu.memory_space<vmem>>
        %dma_wait3A_120 = tpu.memref_squeeze %dma_wait3A_119 : memref<1x128xi32, #tpu.memory_space<vmem>> -> memref<128xi32, #tpu.memory_space<vmem>>
        %dma_wait3A_121 = arith.constant 0 : i32
        %dma_wait3A_122 = arith.constant 0 : i32
        %dma_wait3A_123 = tpu.memref_slice %arg10[%dma_wait3A_121, %dma_wait3A_122] : memref<10240x128xf32, #tpu.memory_space<vmem_shared>> -> memref<10240x128xf32, #tpu.memory_space<vmem_shared>>
        tpu.wait_indirect_dma semaphore(%run_scoped3A : memref<!tpu.dma_semaphore, #tpu.memory_space<semaphore_mem>>) src(%arg9 : memref<128x128xf32, #tpu.memory_space<vmem>>) dst(%dma_wait3A_123 : memref<10240x128xf32, #tpu.memory_space<vmem_shared>>)
        tpu.yield
      }) : () -> ()
      %scan3A_111 = arith.constant 0 : i32
      scf.yield %scan3A_111 : i32
    }
    %scan3A_42 = arith.constant 20 : i32
    %mul3A_43 = arith.constant 80 : i32
    %mul3A_44 = arith.muli %arg1, %mul3A_43 : i32
    %add3A_45 = arith.constant 40 : i32
    %add3A_46 = arith.addi %mul3A_44, %add3A_45 : i32
    %multiple_of3A_47 = tpu.assume_multiple %add3A_46, 8 : i32
    "tpu.region"() ({
      %run_scoped3A = tpu.sem_alloc : memref<!tpu.dma_semaphore, #tpu.memory_space<semaphore_mem>>
      %dma_start3A_79 = arith.constant 0 : i32
      %dma_start3A_80 = tpu.memref_slice %arg3[%multiple_of3A_47, %dma_start3A_79] : memref<1280x128xi32, #tpu.memory_space<hbm>> -> memref<40x128xi32, #tpu.memory_space<hbm>>
      %dma_start3A_81 = arith.constant 0 : i32
      %dma_start3A_82 = tpu.memref_slice %arg3[%multiple_of3A_47, %dma_start3A_81] : memref<1280x128xi32, #tpu.memory_space<hbm>> -> memref<40x128xi32, #tpu.memory_space<hbm>>
      tpu.enqueue_dma source(%dma_start3A_82 : memref<40x128xi32, #tpu.memory_space<hbm>>) target(%arg6 : memref<40x128xi32, #tpu.memory_space<vmem>>) target_semaphore(%run_scoped3A : memref<!tpu.dma_semaphore, #tpu.memory_space<semaphore_mem>>)
      %dma_wait3A_83 = arith.constant 0 : i32
      %dma_wait3A_84 = tpu.memref_slice %arg3[%multiple_of3A_47, %dma_wait3A_83] : memref<1280x128xi32, #tpu.memory_space<hbm>> -> memref<40x128xi32, #tpu.memory_space<hbm>>
      %dma_wait3A_85 = arith.constant 0 : i32
      %dma_wait3A_86 = tpu.memref_slice %arg3[%multiple_of3A_47, %dma_wait3A_85] : memref<1280x128xi32, #tpu.memory_space<hbm>> -> memref<40x128xi32, #tpu.memory_space<hbm>>
      tpu.wait_dma2 semaphore(%run_scoped3A : memref<!tpu.dma_semaphore, #tpu.memory_space<semaphore_mem>>) src(%dma_wait3A_86 : memref<40x128xi32, #tpu.memory_space<hbm>>) dst(%arg6 : memref<40x128xi32, #tpu.memory_space<vmem>>)
      tpu.yield
    }) : () -> ()
    "tpu.region"() ({
      %run_scoped3A = tpu.sem_alloc : memref<!tpu.dma_semaphore, #tpu.memory_space<semaphore_mem>>
      %dma_start3A_79 = arith.constant 0 : i32
      %dma_start3A_80 = tpu.memref_slice %arg4[%multiple_of3A_47, %dma_start3A_79] : memref<1280x128xi32, #tpu.memory_space<hbm>> -> memref<40x128xi32, #tpu.memory_space<hbm>>
      %dma_start3A_81 = arith.constant 0 : i32
      %dma_start3A_82 = tpu.memref_slice %arg4[%multiple_of3A_47, %dma_start3A_81] : memref<1280x128xi32, #tpu.memory_space<hbm>> -> memref<40x128xi32, #tpu.memory_space<hbm>>
      tpu.enqueue_dma source(%dma_start3A_82 : memref<40x128xi32, #tpu.memory_space<hbm>>) target(%arg7 : memref<40x128xi32, #tpu.memory_space<vmem>>) target_semaphore(%run_scoped3A : memref<!tpu.dma_semaphore, #tpu.memory_space<semaphore_mem>>)
      %dma_wait3A_83 = arith.constant 0 : i32
      %dma_wait3A_84 = tpu.memref_slice %arg4[%multiple_of3A_47, %dma_wait3A_83] : memref<1280x128xi32, #tpu.memory_space<hbm>> -> memref<40x128xi32, #tpu.memory_space<hbm>>
      %dma_wait3A_85 = arith.constant 0 : i32
      %dma_wait3A_86 = tpu.memref_slice %arg4[%multiple_of3A_47, %dma_wait3A_85] : memref<1280x128xi32, #tpu.memory_space<hbm>> -> memref<40x128xi32, #tpu.memory_space<hbm>>
      tpu.wait_dma2 semaphore(%run_scoped3A : memref<!tpu.dma_semaphore, #tpu.memory_space<semaphore_mem>>) src(%dma_wait3A_86 : memref<40x128xi32, #tpu.memory_space<hbm>>) dst(%arg7 : memref<40x128xi32, #tpu.memory_space<vmem>>)
      tpu.yield
    }) : () -> ()
    %scan3A_48 = arith.constant 0 : i32
    %scan3A_49 = arith.constant 0 : i32
    %scan3A_50 = arith.constant 40 : i32
    %scan3A_51 = arith.addi %scan3A_49, %scan3A_50 : i32
    %scan3A_52 = arith.constant 1 : i32
    %scan3A_53 = scf.for %scan3A_79 = %scan3A_49 to %scan3A_51 step %scan3A_52 iter_args(%scan3A_80 = %scan3A_48) -> (i32)  : i32 {
      %get3A = arith.index_cast %scan3A_79 : i32 to index
      %get3A_81 = arith.constant 0 : index
      %get3A_82 = tpu.vector_load %arg6[%get3A, %get3A_81] {strides = array<i32>} : memref<40x128xi32, #tpu.memory_space<vmem>>, vector<1x16xi32>,
      %get3A_83 = vector.shape_cast %get3A_82 : vector<1x16xi32> to vector<16xi32>
      %add3A_84 = vector.broadcast %mul3A_10 : i32 to vector<16xi32>
      %add3A_85 = arith.addi %get3A_83, %add3A_84 : vector<16xi32>
      %swap3A = arith.index_cast %scan3A_79 : i32 to index
      %swap3A_86 = arith.constant 0 : index
      %swap3A_87 = tpu.vector_load %arg6[%swap3A, %swap3A_86] {strides = array<i32>} : memref<40x128xi32, #tpu.memory_space<vmem>>, vector<1x16xi32>,
      %swap3A_88 = vector.shape_cast %swap3A_87 : vector<1x16xi32> to vector<16xi32>
      %swap3A_89 = vector.shape_cast %add3A_85 : vector<16xi32> to vector<1x16xi32>
      tpu.vector_store %arg6[%swap3A, %swap3A_86], %swap3A_89 {strides = array<i32>} : memref<40x128xi32, #tpu.memory_space<vmem>>, vector<1x16xi32>,
      %get3A_90 = arith.index_cast %scan3A_79 : i32 to index
      %get3A_91 = arith.constant 16 : index
      %get3A_92 = tpu.vector_load %arg6[%get3A_90, %get3A_91] {strides = array<i32>} : memref<40x128xi32, #tpu.memory_space<vmem>>, vector<1x16xi32>,
      %get3A_93 = vector.shape_cast %get3A_92 : vector<1x16xi32> to vector<16xi32>
      %add3A_94 = vector.broadcast %mul3A_10 : i32 to vector<16xi32>
      %add3A_95 = arith.addi %get3A_93, %add3A_94 : vector<16xi32>
      %swap3A_96 = arith.index_cast %scan3A_79 : i32 to index
      %swap3A_97 = arith.constant 16 : index
      %swap3A_98 = tpu.vector_load %arg6[%swap3A_96, %swap3A_97] {strides = array<i32>} : memref<40x128xi32, #tpu.memory_space<vmem>>, vector<1x16xi32>,
      %swap3A_99 = vector.shape_cast %swap3A_98 : vector<1x16xi32> to vector<16xi32>
      %swap3A_100 = vector.shape_cast %add3A_95 : vector<16xi32> to vector<1x16xi32>
      tpu.vector_store %arg6[%swap3A_96, %swap3A_97], %swap3A_100 {strides = array<i32>} : memref<40x128xi32, #tpu.memory_space<vmem>>, vector<1x16xi32>,
      %get3A_101 = arith.index_cast %scan3A_79 : i32 to index
      %get3A_102 = arith.constant 32 : index
      %get3A_103 = tpu.vector_load %arg6[%get3A_101, %get3A_102] {strides = array<i32>} : memref<40x128xi32, #tpu.memory_space<vmem>>, vector<1x16xi32>,
      %get3A_104 = vector.shape_cast %get3A_103 : vector<1x16xi32> to vector<16xi32>
      %add3A_105 = vector.broadcast %mul3A_10 : i32 to vector<16xi32>
      %add3A_106 = arith.addi %get3A_104, %add3A_105 : vector<16xi32>
      %swap3A_107 = arith.index_cast %scan3A_79 : i32 to index
      %swap3A_108 = arith.constant 32 : index
      %swap3A_109 = tpu.vector_load %arg6[%swap3A_107, %swap3A_108] {strides = array<i32>} : memref<40x128xi32, #tpu.memory_space<vmem>>, vector<1x16xi32>,
      %swap3A_110 = vector.shape_cast %swap3A_109 : vector<1x16xi32> to vector<16xi32>
      %swap3A_111 = vector.shape_cast %add3A_106 : vector<16xi32> to vector<1x16xi32>
      tpu.vector_store %arg6[%swap3A_107, %swap3A_108], %swap3A_111 {strides = array<i32>} : memref<40x128xi32, #tpu.memory_space<vmem>>, vector<1x16xi32>,
      %get3A_112 = arith.index_cast %scan3A_79 : i32 to index
      %get3A_113 = arith.constant 48 : index
      %get3A_114 = tpu.vector_load %arg6[%get3A_112, %get3A_113] {strides = array<i32>} : memref<40x128xi32, #tpu.memory_space<vmem>>, vector<1x16xi32>,
      %get3A_115 = vector.shape_cast %get3A_114 : vector<1x16xi32> to vector<16xi32>
      %add3A_116 = vector.broadcast %mul3A_10 : i32 to vector<16xi32>
      %add3A_117 = arith.addi %get3A_115, %add3A_116 : vector<16xi32>
      %swap3A_118 = arith.index_cast %scan3A_79 : i32 to index
      %swap3A_119 = arith.constant 48 : index
      %swap3A_120 = tpu.vector_load %arg6[%swap3A_118, %swap3A_119] {strides = array<i32>} : memref<40x128xi32, #tpu.memory_space<vmem>>, vector<1x16xi32>,
      %swap3A_121 = vector.shape_cast %swap3A_120 : vector<1x16xi32> to vector<16xi32>
      %swap3A_122 = vector.shape_cast %add3A_117 : vector<16xi32> to vector<1x16xi32>
      tpu.vector_store %arg6[%swap3A_118, %swap3A_119], %swap3A_122 {strides = array<i32>} : memref<40x128xi32, #tpu.memory_space<vmem>>, vector<1x16xi32>,
      %get3A_123 = arith.index_cast %scan3A_79 : i32 to index
      %get3A_124 = arith.constant 64 : index
      %get3A_125 = tpu.vector_load %arg6[%get3A_123, %get3A_124] {strides = array<i32>} : memref<40x128xi32, #tpu.memory_space<vmem>>, vector<1x16xi32>,
      %get3A_126 = vector.shape_cast %get3A_125 : vector<1x16xi32> to vector<16xi32>
      %add3A_127 = vector.broadcast %mul3A_10 : i32 to vector<16xi32>
      %add3A_128 = arith.addi %get3A_126, %add3A_127 : vector<16xi32>
      %swap3A_129 = arith.index_cast %scan3A_79 : i32 to index
      %swap3A_130 = arith.constant 64 : index
      %swap3A_131 = tpu.vector_load %arg6[%swap3A_129, %swap3A_130] {strides = array<i32>} : memref<40x128xi32, #tpu.memory_space<vmem>>, vector<1x16xi32>,
      %swap3A_132 = vector.shape_cast %swap3A_131 : vector<1x16xi32> to vector<16xi32>
      %swap3A_133 = vector.shape_cast %add3A_128 : vector<16xi32> to vector<1x16xi32>
      tpu.vector_store %arg6[%swap3A_129, %swap3A_130], %swap3A_133 {strides = array<i32>} : memref<40x128xi32, #tpu.memory_space<vmem>>, vector<1x16xi32>,
      %get3A_134 = arith.index_cast %scan3A_79 : i32 to index
      %get3A_135 = arith.constant 80 : index
      %get3A_136 = tpu.vector_load %arg6[%get3A_134, %get3A_135] {strides = array<i32>} : memref<40x128xi32, #tpu.memory_space<vmem>>, vector<1x16xi32>,
      %get3A_137 = vector.shape_cast %get3A_136 : vector<1x16xi32> to vector<16xi32>
      %add3A_138 = vector.broadcast %mul3A_10 : i32 to vector<16xi32>
      %add3A_139 = arith.addi %get3A_137, %add3A_138 : vector<16xi32>
      %swap3A_140 = arith.index_cast %scan3A_79 : i32 to index
      %swap3A_141 = arith.constant 80 : index
      %swap3A_142 = tpu.vector_load %arg6[%swap3A_140, %swap3A_141] {strides = array<i32>} : memref<40x128xi32, #tpu.memory_space<vmem>>, vector<1x16xi32>,
      %swap3A_143 = vector.shape_cast %swap3A_142 : vector<1x16xi32> to vector<16xi32>
      %swap3A_144 = vector.shape_cast %add3A_139 : vector<16xi32> to vector<1x16xi32>
      tpu.vector_store %arg6[%swap3A_140, %swap3A_141], %swap3A_144 {strides = array<i32>} : memref<40x128xi32, #tpu.memory_space<vmem>>, vector<1x16xi32>,
      %get3A_145 = arith.index_cast %scan3A_79 : i32 to index
      %get3A_146 = arith.constant 96 : index
      %get3A_147 = tpu.vector_load %arg6[%get3A_145, %get3A_146] {strides = array<i32>} : memref<40x128xi32, #tpu.memory_space<vmem>>, vector<1x16xi32>,
      %get3A_148 = vector.shape_cast %get3A_147 : vector<1x16xi32> to vector<16xi32>
      %add3A_149 = vector.broadcast %mul3A_10 : i32 to vector<16xi32>
      %add3A_150 = arith.addi %get3A_148, %add3A_149 : vector<16xi32>
      %swap3A_151 = arith.index_cast %scan3A_79 : i32 to index
      %swap3A_152 = arith.constant 96 : index
      %swap3A_153 = tpu.vector_load %arg6[%swap3A_151, %swap3A_152] {strides = array<i32>} : memref<40x128xi32, #tpu.memory_space<vmem>>, vector<1x16xi32>,
      %swap3A_154 = vector.shape_cast %swap3A_153 : vector<1x16xi32> to vector<16xi32>
      %swap3A_155 = vector.shape_cast %add3A_150 : vector<16xi32> to vector<1x16xi32>
      tpu.vector_store %arg6[%swap3A_151, %swap3A_152], %swap3A_155 {strides = array<i32>} : memref<40x128xi32, #tpu.memory_space<vmem>>, vector<1x16xi32>,
      %get3A_156 = arith.index_cast %scan3A_79 : i32 to index
      %get3A_157 = arith.constant 112 : index
      %get3A_158 = tpu.vector_load %arg6[%get3A_156, %get3A_157] {strides = array<i32>} : memref<40x128xi32, #tpu.memory_space<vmem>>, vector<1x16xi32>,
      %get3A_159 = vector.shape_cast %get3A_158 : vector<1x16xi32> to vector<16xi32>
      %add3A_160 = vector.broadcast %mul3A_10 : i32 to vector<16xi32>
      %add3A_161 = arith.addi %get3A_159, %add3A_160 : vector<16xi32>
      %swap3A_162 = arith.index_cast %scan3A_79 : i32 to index
      %swap3A_163 = arith.constant 112 : index
      %swap3A_164 = tpu.vector_load %arg6[%swap3A_162, %swap3A_163] {strides = array<i32>} : memref<40x128xi32, #tpu.memory_space<vmem>>, vector<1x16xi32>,
      %swap3A_165 = vector.shape_cast %swap3A_164 : vector<1x16xi32> to vector<16xi32>
      %swap3A_166 = vector.shape_cast %add3A_161 : vector<16xi32> to vector<1x16xi32>
      tpu.vector_store %arg6[%swap3A_162, %swap3A_163], %swap3A_166 {strides = array<i32>} : memref<40x128xi32, #tpu.memory_space<vmem>>, vector<1x16xi32>,
      %scan3A_167 = arith.constant 0 : i32
      scf.yield %scan3A_167 : i32
    }
    %scan3A_54 = arith.constant 40 : i32
    %dma_start3A_55 = arith.constant 0 : i32
    %dma_start3A_56 = arith.constant 0 : i32
    %dma_start3A_57 = tpu.memref_slice %arg6[%dma_start3A_55, %dma_start3A_56] : memref<40x128xi32, #tpu.memory_space<vmem>> -> memref<1x128xi32, #tpu.memory_space<vmem>>
    %dma_start3A_58 = tpu.memref_squeeze %dma_start3A_57 : memref<1x128xi32, #tpu.memory_space<vmem>> -> memref<128xi32, #tpu.memory_space<vmem>>
    %dma_start3A_59 = arith.constant 0 : i32
    %dma_start3A_60 = arith.constant 0 : i32
    %dma_start3A_61 = tpu.memref_slice %arg2[%dma_start3A_59, %dma_start3A_60] : memref<20000x128xf32, #tpu.memory_space<hbm>> -> memref<20000x128xf32, #tpu.memory_space<hbm>>
    tpu.enqueue_indirect_dma source(%dma_start3A_61 : memref<20000x128xf32, #tpu.memory_space<hbm>>) target(%arg8 : memref<128x128xf32, #tpu.memory_space<vmem>>) offsets(%dma_start3A_58 : memref<128xi32, #tpu.memory_space<vmem>>) semaphore(%arg11 : memref<!tpu.dma_semaphore, #tpu.memory_space<semaphore_mem>>)
    %scan3A_62 = arith.constant 0 : i32
    %scan3A_63 = arith.constant 0 : i32
    %scan3A_64 = arith.constant 20 : i32
    %scan3A_65 = arith.addi %scan3A_63, %scan3A_64 : i32
    %scan3A_66 = arith.constant 1 : i32
    %scan3A_67 = scf.for %scan3A_79 = %scan3A_63 to %scan3A_65 step %scan3A_66 iter_args(%scan3A_80 = %scan3A_62) -> (i32)  : i32 {
      %mul3A_81 = arith.constant 2 : i32
      %mul3A_82 = arith.muli %mul3A_81, %scan3A_79 : i32
      %mul3A_83 = arith.constant 2 : i32
      %mul3A_84 = arith.muli %mul3A_83, %scan3A_79 : i32
      %add3A_85 = arith.constant 1 : i32
      %add3A_86 = arith.addi %mul3A_84, %add3A_85 : i32
      %dma_start3A_87 = arith.constant 0 : i32
      %dma_start3A_88 = tpu.memref_slice %arg6[%add3A_86, %dma_start3A_87] : memref<40x128xi32, #tpu.memory_space<vmem>> -> memref<1x128xi32, #tpu.memory_space<vmem>>
      %dma_start3A_89 = tpu.memref_squeeze %dma_start3A_88 : memref<1x128xi32, #tpu.memory_space<vmem>> -> memref<128xi32, #tpu.memory_space<vmem>>
      %dma_start3A_90 = arith.constant 0 : i32
      %dma_start3A_91 = arith.constant 0 : i32
      %dma_start3A_92 = tpu.memref_slice %arg2[%dma_start3A_90, %dma_start3A_91] : memref<20000x128xf32, #tpu.memory_space<hbm>> -> memref<20000x128xf32, #tpu.memory_space<hbm>>
      tpu.enqueue_indirect_dma source(%dma_start3A_92 : memref<20000x128xf32, #tpu.memory_space<hbm>>) target(%arg9 : memref<128x128xf32, #tpu.memory_space<vmem>>) offsets(%dma_start3A_89 : memref<128xi32, #tpu.memory_space<vmem>>) semaphore(%arg12 : memref<!tpu.dma_semaphore, #tpu.memory_space<semaphore_mem>>)
      %dma_wait3A_93 = arith.constant 0 : i32
      %dma_wait3A_94 = tpu.memref_slice %arg6[%mul3A_82, %dma_wait3A_93] : memref<40x128xi32, #tpu.memory_space<vmem>> -> memref<1x128xi32, #tpu.memory_space<vmem>>
      %dma_wait3A_95 = tpu.memref_squeeze %dma_wait3A_94 : memref<1x128xi32, #tpu.memory_space<vmem>> -> memref<128xi32, #tpu.memory_space<vmem>>
      %dma_wait3A_96 = arith.constant 0 : i32
      %dma_wait3A_97 = arith.constant 0 : i32
      %dma_wait3A_98 = tpu.memref_slice %arg2[%dma_wait3A_96, %dma_wait3A_97] : memref<20000x128xf32, #tpu.memory_space<hbm>> -> memref<20000x128xf32, #tpu.memory_space<hbm>>
      tpu.wait_indirect_dma semaphore(%arg11 : memref<!tpu.dma_semaphore, #tpu.memory_space<semaphore_mem>>) src(%dma_wait3A_98 : memref<20000x128xf32, #tpu.memory_space<hbm>>) dst(%arg8 : memref<128x128xf32, #tpu.memory_space<vmem>>)
      "tpu.region"() ({
        %run_scoped3A = tpu.sem_alloc : memref<!tpu.dma_semaphore, #tpu.memory_space<semaphore_mem>>
        %dma_start3A_112 = arith.constant 0 : i32
        %dma_start3A_113 = tpu.memref_slice %arg7[%mul3A_82, %dma_start3A_112] : memref<40x128xi32, #tpu.memory_space<vmem>> -> memref<1x128xi32, #tpu.memory_space<vmem>>
        %dma_start3A_114 = tpu.memref_squeeze %dma_start3A_113 : memref<1x128xi32, #tpu.memory_space<vmem>> -> memref<128xi32, #tpu.memory_space<vmem>>
        %dma_start3A_115 = arith.constant 0 : i32
        %dma_start3A_116 = arith.constant 0 : i32
        %dma_start3A_117 = tpu.memref_slice %arg10[%dma_start3A_115, %dma_start3A_116] : memref<10240x128xf32, #tpu.memory_space<vmem_shared>> -> memref<10240x128xf32, #tpu.memory_space<vmem_shared>>
        tpu.enqueue_indirect_dma source(%arg8 : memref<128x128xf32, #tpu.memory_space<vmem>>) target(%dma_start3A_117 : memref<10240x128xf32, #tpu.memory_space<vmem_shared>>) offsets(%dma_start3A_114 : memref<128xi32, #tpu.memory_space<vmem>>) semaphore(%run_scoped3A : memref<!tpu.dma_semaphore, #tpu.memory_space<semaphore_mem>>) {add = true}
        %dma_wait3A_118 = arith.constant 0 : i32
        %dma_wait3A_119 = tpu.memref_slice %arg7[%mul3A_82, %dma_wait3A_118] : memref<40x128xi32, #tpu.memory_space<vmem>> -> memref<1x128xi32, #tpu.memory_space<vmem>>
        %dma_wait3A_120 = tpu.memref_squeeze %dma_wait3A_119 : memref<1x128xi32, #tpu.memory_space<vmem>> -> memref<128xi32, #tpu.memory_space<vmem>>
        %dma_wait3A_121 = arith.constant 0 : i32
        %dma_wait3A_122 = arith.constant 0 : i32
        %dma_wait3A_123 = tpu.memref_slice %arg10[%dma_wait3A_121, %dma_wait3A_122] : memref<10240x128xf32, #tpu.memory_space<vmem_shared>> -> memref<10240x128xf32, #tpu.memory_space<vmem_shared>>
        tpu.wait_indirect_dma semaphore(%run_scoped3A : memref<!tpu.dma_semaphore, #tpu.memory_space<semaphore_mem>>) src(%arg8 : memref<128x128xf32, #tpu.memory_space<vmem>>) dst(%dma_wait3A_123 : memref<10240x128xf32, #tpu.memory_space<vmem_shared>>)
        tpu.yield
      }) : () -> ()
      %add3A_99 = arith.constant 1 : i32
      %add3A_100 = arith.addi %add3A_86, %add3A_99 : i32
      %lt3A = arith.constant 40 : i32
      %lt3A_101 = arith.cmpi slt, %add3A_100, %lt3A : i32
      %convert_element_type3A_102 = arith.extui %lt3A_101 : i1 to i32
      %cond3A_103 = arith.constant 0 : i32
      %cond3A_104 = arith.cmpi ne, %convert_element_type3A_102, %cond3A_103 : i32
      scf.if %cond3A_104 {
        %add3A_112 = arith.constant 1 : i32
        %add3A_113 = arith.addi %add3A_86, %add3A_112 : i32
        %dma_start3A_114 = arith.constant 0 : i32
        %dma_start3A_115 = tpu.memref_slice %arg6[%add3A_113, %dma_start3A_114] : memref<40x128xi32, #tpu.memory_space<vmem>> -> memref<1x128xi32, #tpu.memory_space<vmem>>
        %dma_start3A_116 = tpu.memref_squeeze %dma_start3A_115 : memref<1x128xi32, #tpu.memory_space<vmem>> -> memref<128xi32, #tpu.memory_space<vmem>>
        %dma_start3A_117 = arith.constant 0 : i32
        %dma_start3A_118 = arith.constant 0 : i32
        %dma_start3A_119 = tpu.memref_slice %arg2[%dma_start3A_117, %dma_start3A_118] : memref<20000x128xf32, #tpu.memory_space<hbm>> -> memref<20000x128xf32, #tpu.memory_space<hbm>>
        tpu.enqueue_indirect_dma source(%dma_start3A_119 : memref<20000x128xf32, #tpu.memory_space<hbm>>) target(%arg8 : memref<128x128xf32, #tpu.memory_space<vmem>>) offsets(%dma_start3A_116 : memref<128xi32, #tpu.memory_space<vmem>>) semaphore(%arg11 : memref<!tpu.dma_semaphore, #tpu.memory_space<semaphore_mem>>)
      } else {
      }
      %dma_wait3A_105 = arith.constant 0 : i32
      %dma_wait3A_106 = tpu.memref_slice %arg6[%add3A_86, %dma_wait3A_105] : memref<40x128xi32, #tpu.memory_space<vmem>> -> memref<1x128xi32, #tpu.memory_space<vmem>>
      %dma_wait3A_107 = tpu.memref_squeeze %dma_wait3A_106 : memref<1x128xi32, #tpu.memory_space<vmem>> -> memref<128xi32, #tpu.memory_space<vmem>>
      %dma_wait3A_108 = arith.constant 0 : i32
      %dma_wait3A_109 = arith.constant 0 : i32
      %dma_wait3A_110 = tpu.memref_slice %arg2[%dma_wait3A_108, %dma_wait3A_109] : memref<20000x128xf32, #tpu.memory_space<hbm>> -> memref<20000x128xf32, #tpu.memory_space<hbm>>
      tpu.wait_indirect_dma semaphore(%arg12 : memref<!tpu.dma_semaphore, #tpu.memory_space<semaphore_mem>>) src(%dma_wait3A_110 : memref<20000x128xf32, #tpu.memory_space<hbm>>) dst(%arg9 : memref<128x128xf32, #tpu.memory_space<vmem>>)
      "tpu.region"() ({
        %run_scoped3A = tpu.sem_alloc : memref<!tpu.dma_semaphore, #tpu.memory_space<semaphore_mem>>
        %dma_start3A_112 = arith.constant 0 : i32
        %dma_start3A_113 = tpu.memref_slice %arg7[%add3A_86, %dma_start3A_112] : memref<40x128xi32, #tpu.memory_space<vmem>> -> memref<1x128xi32, #tpu.memory_space<vmem>>
        %dma_start3A_114 = tpu.memref_squeeze %dma_start3A_113 : memref<1x128xi32, #tpu.memory_space<vmem>> -> memref<128xi32, #tpu.memory_space<vmem>>
        %dma_start3A_115 = arith.constant 0 : i32
        %dma_start3A_116 = arith.constant 0 : i32
        %dma_start3A_117 = tpu.memref_slice %arg10[%dma_start3A_115, %dma_start3A_116] : memref<10240x128xf32, #tpu.memory_space<vmem_shared>> -> memref<10240x128xf32, #tpu.memory_space<vmem_shared>>
        tpu.enqueue_indirect_dma source(%arg9 : memref<128x128xf32, #tpu.memory_space<vmem>>) target(%dma_start3A_117 : memref<10240x128xf32, #tpu.memory_space<vmem_shared>>) offsets(%dma_start3A_114 : memref<128xi32, #tpu.memory_space<vmem>>) semaphore(%run_scoped3A : memref<!tpu.dma_semaphore, #tpu.memory_space<semaphore_mem>>) {add = true}
        %dma_wait3A_118 = arith.constant 0 : i32
        %dma_wait3A_119 = tpu.memref_slice %arg7[%add3A_86, %dma_wait3A_118] : memref<40x128xi32, #tpu.memory_space<vmem>> -> memref<1x128xi32, #tpu.memory_space<vmem>>
        %dma_wait3A_120 = tpu.memref_squeeze %dma_wait3A_119 : memref<1x128xi32, #tpu.memory_space<vmem>> -> memref<128xi32, #tpu.memory_space<vmem>>
        %dma_wait3A_121 = arith.constant 0 : i32
        %dma_wait3A_122 = arith.constant 0 : i32
        %dma_wait3A_123 = tpu.memref_slice %arg10[%dma_wait3A_121, %dma_wait3A_122] : memref<10240x128xf32, #tpu.memory_space<vmem_shared>> -> memref<10240x128xf32, #tpu.memory_space<vmem_shared>>
        tpu.wait_indirect_dma semaphore(%run_scoped3A : memref<!tpu.dma_semaphore, #tpu.memory_space<semaphore_mem>>) src(%arg9 : memref<128x128xf32, #tpu.memory_space<vmem>>) dst(%dma_wait3A_123 : memref<10240x128xf32, #tpu.memory_space<vmem_shared>>)
        tpu.yield
      }) : () -> ()
      %scan3A_111 = arith.constant 0 : i32
      scf.yield %scan3A_111 : i32
    }
    %scan3A_68 = arith.constant 20 : i32
    %barrier3A_69 = arith.constant 0 : index
    tpu.barrier barrier_id(%barrier3A_69)
    %mul3A_70 = arith.constant 10000 : i32
    %mul3A_71 = arith.muli %arg0, %mul3A_70 : i32
    %add3A_72 = arith.addi %mul3A_71, %multiple_of3A : i32
    %multiple_of3A_73 = tpu.assume_multiple %add3A_72, 8 : i32
    "tpu.region"() ({
      %run_scoped3A = tpu.sem_alloc : memref<!tpu.dma_semaphore, #tpu.memory_space<semaphore_mem>>
      %dma_start3A_79 = arith.constant 0 : i32
      %dma_start3A_80 = tpu.memref_slice %arg5[%multiple_of3A_73, %dma_start3A_79] : memref<20000x128xf32, #tpu.memory_space<hbm>> -> memref<624x128xf32, #tpu.memory_space<hbm>>
      %dma_start3A_81 = arith.constant 0 : i32
      %dma_start3A_82 = tpu.memref_slice %arg10[%multiple_of3A, %dma_start3A_81] : memref<10240x128xf32, #tpu.memory_space<vmem_shared>> -> memref<624x128xf32, #tpu.memory_space<vmem_shared>>
      tpu.enqueue_dma source(%dma_start3A_82 : memref<624x128xf32, #tpu.memory_space<vmem_shared>>) target(%dma_start3A_80 : memref<624x128xf32, #tpu.memory_space<hbm>>) target_semaphore(%run_scoped3A : memref<!tpu.dma_semaphore, #tpu.memory_space<semaphore_mem>>)
      %dma_wait3A_83 = arith.constant 0 : i32
      %dma_wait3A_84 = tpu.memref_slice %arg5[%multiple_of3A_73, %dma_wait3A_83] : memref<20000x128xf32, #tpu.memory_space<hbm>> -> memref<624x128xf32, #tpu.memory_space<hbm>>
      %dma_wait3A_85 = arith.constant 0 : i32
      %dma_wait3A_86 = tpu.memref_slice %arg10[%multiple_of3A, %dma_wait3A_85] : memref<10240x128xf32, #tpu.memory_space<vmem_shared>> -> memref<624x128xf32, #tpu.memory_space<vmem_shared>>
      tpu.wait_dma2 semaphore(%run_scoped3A : memref<!tpu.dma_semaphore, #tpu.memory_space<semaphore_mem>>) src(%dma_wait3A_86 : memref<624x128xf32, #tpu.memory_space<vmem_shared>>) dst(%dma_wait3A_84 : memref<624x128xf32, #tpu.memory_space<hbm>>)
      tpu.yield
    }) : () -> ()
    %eq3A_74 = arith.constant 15 : i32
    %eq3A_75 = arith.cmpi eq, %arg1, %eq3A_74 : i32
    %convert_element_type3A_76 = arith.extui %eq3A_75 : i1 to i32
    %cond3A_77 = arith.constant 0 : i32
    %cond3A_78 = arith.cmpi ne, %convert_element_type3A_76, %cond3A_77 : i32
    scf.if %cond3A_78 {
      %mul3A_79 = arith.constant 10000 : i32
      %mul3A_80 = arith.muli %arg0, %mul3A_79 : i32
      %add3A_81 = arith.constant 9984 : i32
      %add3A_82 = arith.addi %mul3A_80, %add3A_81 : i32
      %multiple_of3A_83 = tpu.assume_multiple %add3A_82, 8 : i32
      "tpu.region"() ({
        %run_scoped3A = tpu.sem_alloc : memref<!tpu.dma_semaphore, #tpu.memory_space<semaphore_mem>>
        %dma_start3A_84 = arith.constant 0 : i32
        %dma_start3A_85 = tpu.memref_slice %arg5[%multiple_of3A_83, %dma_start3A_84] : memref<20000x128xf32, #tpu.memory_space<hbm>> -> memref<16x128xf32, #tpu.memory_space<hbm>>
        %dma_start3A_86 = arith.constant 9984 : i32
        %dma_start3A_87 = arith.constant 0 : i32
        %dma_start3A_88 = tpu.memref_slice %arg10[%dma_start3A_86, %dma_start3A_87] : memref<10240x128xf32, #tpu.memory_space<vmem_shared>> -> memref<16x128xf32, #tpu.memory_space<vmem_shared>>
        tpu.enqueue_dma source(%dma_start3A_88 : memref<16x128xf32, #tpu.memory_space<vmem_shared>>) target(%dma_start3A_85 : memref<16x128xf32, #tpu.memory_space<hbm>>) target_semaphore(%run_scoped3A : memref<!tpu.dma_semaphore, #tpu.memory_space<semaphore_mem>>)
        %dma_wait3A_89 = arith.constant 0 : i32
        %dma_wait3A_90 = tpu.memref_slice %arg5[%multiple_of3A_83, %dma_wait3A_89] : memref<20000x128xf32, #tpu.memory_space<hbm>> -> memref<16x128xf32, #tpu.memory_space<hbm>>
        %dma_wait3A_91 = arith.constant 9984 : i32
        %dma_wait3A_92 = arith.constant 0 : i32
        %dma_wait3A_93 = tpu.memref_slice %arg10[%dma_wait3A_91, %dma_wait3A_92] : memref<10240x128xf32, #tpu.memory_space<vmem_shared>> -> memref<16x128xf32, #tpu.memory_space<vmem_shared>>
        tpu.wait_dma2 semaphore(%run_scoped3A : memref<!tpu.dma_semaphore, #tpu.memory_space<semaphore_mem>>) src(%dma_wait3A_93 : memref<16x128xf32, #tpu.memory_space<vmem_shared>>) dst(%dma_wait3A_90 : memref<16x128xf32, #tpu.memory_space<hbm>>)
        tpu.yield
      }) : () -> ()
    } else {
    }
    return
  }
}

module attributes {stable_mosaic.version = 14 : i64} {
  func.func @_mm1_body(%arg0: i32, %arg1: i32, %arg2: memref<5000x2xf32, #tpu.memory_space<vmem>>, %arg3: memref<5000x256xf32, #tpu.memory_space<vmem>>, %arg4: memref<256x128xf32, #tpu.memory_space<vmem>>, %arg5: memref<1x5000x128xf32, #tpu.memory_space<vmem>>) attributes {dimension_semantics = [#tpu.dimension_semantics<arbitrary>, #tpu.dimension_semantics<arbitrary>], iteration_bounds = array<i64: 2, 2>, scalar_prefetch = 0 : i64, scratch_operands = 0 : i64, tpu.core_type = #tpu.core_type<tc>, window_params = [{transform_indices = @transform_0, window_bounds = array<i64: 5000, 2>}, {transform_indices = @transform_1, window_bounds = array<i64: 5000, 256>}, {transform_indices = @transform_2, window_bounds = array<i64: 256, 128>}, {transform_indices = @transform_3, window_bounds = array<i64: 1, 5000, 128>}]} {
    %get3A = arith.constant 0 : index
    %get3A_0 = arith.constant 0 : index
    %get3A_1 = vector.load %arg2[%get3A, %get3A_0] : memref<5000x2xf32, #tpu.memory_space<vmem>>, vector<5000x1xf32>
    %get3A_2 = arith.constant 0 : index
    %get3A_3 = arith.constant 1 : index
    %get3A_4 = vector.load %arg2[%get3A_2, %get3A_3] : memref<5000x2xf32, #tpu.memory_space<vmem>>, vector<5000x1xf32>
    %add3A = arith.addf %get3A_1, %get3A_4 : vector<5000x1xf32>
    %add3A_5 = arith.constant 1.000000e+00 : f32
    %add3A_6 = vector.broadcast %add3A_5 : f32 to vector<5000x1xf32>
    %add3A_7 = arith.addf %add3A, %add3A_6 : vector<5000x1xf32>
    %rsqrt3A = math.rsqrt %add3A_7 : vector<5000x1xf32>
    %get3A_8 = arith.constant 0 : index
    %get3A_9 = arith.constant 0 : index
    %get3A_10 = vector.load %arg3[%get3A_8, %get3A_9] : memref<5000x256xf32, #tpu.memory_space<vmem>>, vector<5000x256xf32>
    %get3A_11 = arith.constant 0 : index
    %get3A_12 = arith.constant 0 : index
    %get3A_13 = vector.load %arg4[%get3A_11, %get3A_12] : memref<256x128xf32, #tpu.memory_space<vmem>>, vector<256x128xf32>
    %dot_general3A = arith.constant dense<0.000000e+00> : vector<5000x128xf32>
    %dot_general3A_14 = tpu.matmul %get3A_10, %get3A_13, %dot_general3A {dimension_numbers = #tpu.dot_dimension_numbers<[1], [0], [0], [1], [0, 0, 1, 1], [], []>, transpose_lhs_hint = false} : vector<5000x256xf32>, vector<256x128xf32>, vector<5000x128xf32> -> vector<5000x128xf32>
    %mul3A = vector.broadcast %rsqrt3A : vector<5000x1xf32> to vector<5000x128xf32>
    %mul3A_15 = arith.mulf %dot_general3A_14, %mul3A : vector<5000x128xf32>
    %swap3A = arith.constant 0 : index
    %swap3A_16 = arith.constant 0 : index
    %swap3A_17 = arith.constant 0 : index
    %swap3A_18 = vector.load %arg5[%swap3A, %swap3A_16, %swap3A_17] : memref<1x5000x128xf32, #tpu.memory_space<vmem>>, vector<1x5000x128xf32>
    %swap3A_19 = vector.shape_cast %swap3A_18 : vector<1x5000x128xf32> to vector<5000x128xf32>
    %swap3A_20 = vector.shape_cast %mul3A_15 : vector<5000x128xf32> to vector<1x5000x128xf32>
    tpu.vector_store %arg5[%swap3A, %swap3A_16, %swap3A_17], %swap3A_20 {strides = array<i32>} : memref<1x5000x128xf32, #tpu.memory_space<vmem>>, vector<1x5000x128xf32>,
    return
  }
  func.func @transform_0(%arg0: i32, %arg1: i32) -> (i32, i32) {
    %c0_i32 = arith.constant 0 : i32
    %c0_i32_0 = arith.constant 0 : i32
    return %arg0, %c0_i32 : i32, i32
  }
  func.func @transform_1(%arg0: i32, %arg1: i32) -> (i32, i32) {
    %c0_i32 = arith.constant 0 : i32
    %c0_i32_0 = arith.constant 0 : i32
    return %arg0, %c0_i32 : i32, i32
  }
  func.func @transform_2(%arg0: i32, %arg1: i32) -> (i32, i32) {
    %c0_i32 = arith.constant 0 : i32
    %c0_i32_0 = arith.constant 0 : i32
    return %c0_i32, %arg1 : i32, i32
  }
  func.func @transform_3(%arg0: i32, %arg1: i32) -> (i32, i32, i32) {
    %c0_i32 = arith.constant 0 : i32
    %c0_i32_0 = arith.constant 0 : i32
    return %arg1, %arg0, %c0_i32 : i32, i32, i32
  }
}

module attributes {stable_mosaic.version = 14 : i64} {
  func.func @_fin_body(%arg0: i32, %arg1: memref<5000x2xf32, #tpu.memory_space<vmem>>, %arg2: memref<2x5000x128xf32, #tpu.memory_space<vmem>>, %arg3: memref<256x128xf32, #tpu.memory_space<vmem>>, %arg4: memref<1x256xf32, #tpu.memory_space<vmem>>, %arg5: memref<1x128xf32, #tpu.memory_space<vmem>>, %arg6: memref<5000x128xf32, #tpu.memory_space<vmem>>) attributes {dimension_semantics = [#tpu.dimension_semantics<arbitrary>], iteration_bounds = array<i64: 2>, scalar_prefetch = 0 : i64, scratch_operands = 0 : i64, tpu.core_type = #tpu.core_type<tc>, window_params = [{transform_indices = @transform_0, window_bounds = array<i64: 5000, 2>}, {transform_indices = @transform_1, window_bounds = array<i64: 2, 5000, 128>}, {pipeline_mode = #tpu.pipeline_mode<synchronous>, transform_indices = @transform_2, window_bounds = array<i64: 256, 128>}, {pipeline_mode = #tpu.pipeline_mode<synchronous>, transform_indices = @transform_3, window_bounds = array<i64: 1, 256>}, {pipeline_mode = #tpu.pipeline_mode<synchronous>, transform_indices = @transform_4, window_bounds = array<i64: 1, 128>}, {transform_indices = @transform_5, window_bounds = array<i64: 5000, 128>}]} {
    %get3A = arith.constant 0 : index
    %get3A_0 = arith.constant 0 : index
    %get3A_1 = vector.load %arg1[%get3A, %get3A_0] : memref<5000x2xf32, #tpu.memory_space<vmem>>, vector<5000x1xf32>
    %get3A_2 = arith.constant 0 : index
    %get3A_3 = arith.constant 1 : index
    %get3A_4 = vector.load %arg1[%get3A_2, %get3A_3] : memref<5000x2xf32, #tpu.memory_space<vmem>>, vector<5000x1xf32>
    %add3A = arith.addf %get3A_1, %get3A_4 : vector<5000x1xf32>
    %add3A_5 = arith.constant 1.000000e+00 : f32
    %add3A_6 = vector.broadcast %add3A_5 : f32 to vector<5000x1xf32>
    %add3A_7 = arith.addf %add3A, %add3A_6 : vector<5000x1xf32>
    %rsqrt3A = math.rsqrt %add3A_7 : vector<5000x1xf32>
    %get3A_8 = arith.constant 0 : index
    %get3A_9 = arith.constant 0 : index
    %get3A_10 = arith.constant 0 : index
    %get3A_11 = vector.load %arg2[%get3A_8, %get3A_9, %get3A_10] : memref<2x5000x128xf32, #tpu.memory_space<vmem>>, vector<1x5000x128xf32>
    %get3A_12 = vector.shape_cast %get3A_11 : vector<1x5000x128xf32> to vector<5000x128xf32>
    %mul3A = vector.broadcast %rsqrt3A : vector<5000x1xf32> to vector<5000x128xf32>
    %mul3A_13 = arith.mulf %get3A_12, %mul3A : vector<5000x128xf32>
    %get3A_14 = arith.constant 0 : index
    %get3A_15 = arith.constant 0 : index
    %get3A_16 = vector.load %arg4[%get3A_14, %get3A_15] : memref<1x256xf32, #tpu.memory_space<vmem>>, vector<1x128xf32>
    %add3A_17 = vector.broadcast %get3A_16 : vector<1x128xf32> to vector<5000x128xf32>
    %add3A_18 = arith.addf %mul3A_13, %add3A_17 : vector<5000x128xf32>
    %get3A_19 = arith.constant 1 : index
    %get3A_20 = arith.constant 0 : index
    %get3A_21 = arith.constant 0 : index
    %get3A_22 = vector.load %arg2[%get3A_19, %get3A_20, %get3A_21] : memref<2x5000x128xf32, #tpu.memory_space<vmem>>, vector<1x5000x128xf32>
    %get3A_23 = vector.shape_cast %get3A_22 : vector<1x5000x128xf32> to vector<5000x128xf32>
    %mul3A_24 = vector.broadcast %rsqrt3A : vector<5000x1xf32> to vector<5000x128xf32>
    %mul3A_25 = arith.mulf %get3A_23, %mul3A_24 : vector<5000x128xf32>
    %get3A_26 = arith.constant 0 : index
    %get3A_27 = arith.constant 128 : index
    %get3A_28 = vector.load %arg4[%get3A_26, %get3A_27] : memref<1x256xf32, #tpu.memory_space<vmem>>, vector<1x128xf32>
    %add3A_29 = vector.broadcast %get3A_28 : vector<1x128xf32> to vector<5000x128xf32>
    %add3A_30 = arith.addf %mul3A_25, %add3A_29 : vector<5000x128xf32>
    %gt3A = arith.constant 0.000000e+00 : f32
    %gt3A_31 = vector.broadcast %gt3A : f32 to vector<5000x128xf32>
    %gt3A_32 = arith.cmpf ogt, %add3A_18, %gt3A_31 : vector<5000x128xf32>
    %min3A = arith.constant 0.000000e+00 : f32
    %min3A_33 = vector.broadcast %min3A : f32 to vector<5000x128xf32>
    %min3A_34 = arith.minimumf %add3A_18, %min3A_33 : vector<5000x128xf32>
    %exp3A = math.exp %min3A_34 : vector<5000x128xf32>
    %sub3A = arith.constant 1.000000e+00 : f32
    %sub3A_35 = vector.broadcast %sub3A : f32 to vector<5000x128xf32>
    %sub3A_36 = arith.subf %exp3A, %sub3A_35 : vector<5000x128xf32>
    %select_n3A = arith.select %gt3A_32, %add3A_18, %sub3A_36 : vector<5000x128xi1>, vector<5000x128xf32>
    %gt3A_37 = arith.constant 0.000000e+00 : f32
    %gt3A_38 = vector.broadcast %gt3A_37 : f32 to vector<5000x128xf32>
    %gt3A_39 = arith.cmpf ogt, %add3A_30, %gt3A_38 : vector<5000x128xf32>
    %min3A_40 = arith.constant 0.000000e+00 : f32
    %min3A_41 = vector.broadcast %min3A_40 : f32 to vector<5000x128xf32>
    %min3A_42 = arith.minimumf %add3A_30, %min3A_41 : vector<5000x128xf32>
    %exp3A_43 = math.exp %min3A_42 : vector<5000x128xf32>
    %sub3A_44 = arith.constant 1.000000e+00 : f32
    %sub3A_45 = vector.broadcast %sub3A_44 : f32 to vector<5000x128xf32>
    %sub3A_46 = arith.subf %exp3A_43, %sub3A_45 : vector<5000x128xf32>
    %select_n3A_47 = arith.select %gt3A_39, %add3A_30, %sub3A_46 : vector<5000x128xi1>, vector<5000x128xf32>
    %get3A_48 = arith.constant 0 : index
    %get3A_49 = arith.constant 0 : index
    %get3A_50 = vector.load %arg3[%get3A_48, %get3A_49] : memref<256x128xf32, #tpu.memory_space<vmem>>, vector<128x128xf32>
    %dot_general3A = arith.constant dense<0.000000e+00> : vector<5000x128xf32>
    %dot_general3A_51 = tpu.matmul %select_n3A, %get3A_50, %dot_general3A {dimension_numbers = #tpu.dot_dimension_numbers<[1], [0], [0], [1], [0, 0, 1, 1], [], []>, transpose_lhs_hint = false} : vector<5000x128xf32>, vector<128x128xf32>, vector<5000x128xf32> -> vector<5000x128xf32>
    %get3A_52 = arith.constant 128 : index
    %get3A_53 = arith.constant 0 : index
    %get3A_54 = vector.load %arg3[%get3A_52, %get3A_53] : memref<256x128xf32, #tpu.memory_space<vmem>>, vector<128x128xf32>
    %dot_general3A_55 = arith.constant dense<0.000000e+00> : vector<5000x128xf32>
    %dot_general3A_56 = tpu.matmul %select_n3A_47, %get3A_54, %dot_general3A_55 {dimension_numbers = #tpu.dot_dimension_numbers<[1], [0], [0], [1], [0, 0, 1, 1], [], []>, transpose_lhs_hint = false} : vector<5000x128xf32>, vector<128x128xf32>, vector<5000x128xf32> -> vector<5000x128xf32>
    %add3A_57 = arith.addf %dot_general3A_51, %dot_general3A_56 : vector<5000x128xf32>
    %get3A_58 = arith.constant 0 : index
    %get3A_59 = arith.constant 0 : index
    %get3A_60 = vector.load %arg5[%get3A_58, %get3A_59] : memref<1x128xf32, #tpu.memory_space<vmem>>, vector<1x128xf32>
    %add3A_61 = vector.broadcast %get3A_60 : vector<1x128xf32> to vector<5000x128xf32>
    %add3A_62 = arith.addf %add3A_57, %add3A_61 : vector<5000x128xf32>
    %max3A = arith.constant 0.000000e+00 : f32
    %max3A_63 = vector.broadcast %max3A : f32 to vector<5000x128xf32>
    %max3A_64 = arith.maximumf %add3A_62, %max3A_63 : vector<5000x128xf32>
    %reduce_max3A = arith.constant dense<0xFF800000> : vector<5000xf32>
    %reduce_max3A_65 = vector.multi_reduction <maximumf>, %max3A_64, %reduce_max3A [1] : vector<5000x128xf32> to vector<5000xf32>
    %broadcast_in_dim3A = vector.shape_cast %reduce_max3A_65 : vector<5000xf32> to vector<5000x1xf32>
    %sub3A_66 = vector.broadcast %broadcast_in_dim3A : vector<5000x1xf32> to vector<5000x128xf32>
    %sub3A_67 = arith.subf %max3A_64, %sub3A_66 : vector<5000x128xf32>
    %exp3A_68 = math.exp %sub3A_67 : vector<5000x128xf32>
    %reduce_sum3A = arith.constant dense<0.000000e+00> : vector<5000xf32>
    %reduce_sum3A_69 = vector.multi_reduction <add>, %exp3A_68, %reduce_sum3A [1] : vector<5000x128xf32> to vector<5000xf32>
    %broadcast_in_dim3A_70 = vector.shape_cast %reduce_sum3A_69 : vector<5000xf32> to vector<5000x1xf32>
    %log3A = math.log %broadcast_in_dim3A_70 : vector<5000x1xf32>
    %sub3A_71 = vector.broadcast %log3A : vector<5000x1xf32> to vector<5000x128xf32>
    %sub3A_72 = arith.subf %sub3A_67, %sub3A_71 : vector<5000x128xf32>
    %swap3A = arith.constant 0 : index
    %swap3A_73 = arith.constant 0 : index
    %swap3A_74 = vector.load %arg6[%swap3A, %swap3A_73] : memref<5000x128xf32, #tpu.memory_space<vmem>>, vector<5000x128xf32>
    tpu.vector_store %arg6[%swap3A, %swap3A_73], %sub3A_72 {strides = array<i32>} : memref<5000x128xf32, #tpu.memory_space<vmem>>, vector<5000x128xf32>,
    return
  }
  func.func @transform_0(%arg0: i32) -> (i32, i32) {
    %c0_i32 = arith.constant 0 : i32
    %c0_i32_0 = arith.constant 0 : i32
    return %arg0, %c0_i32 : i32, i32
  }
  func.func @transform_1(%arg0: i32) -> (i32, i32, i32) {
    %c0_i32 = arith.constant 0 : i32
    %c0_i32_0 = arith.constant 0 : i32
    %c0_i32_1 = arith.constant 0 : i32
    return %c0_i32, %arg0, %c0_i32_0 : i32, i32, i32
  }
  func.func @transform_2(%arg0: i32) -> (i32, i32) {
    %c0_i32 = arith.constant 0 : i32
    %c0_i32_0 = arith.constant 0 : i32
    %c0_i32_1 = arith.constant 0 : i32
    return %c0_i32, %c0_i32_0 : i32, i32
  }
  func.func @transform_3(%arg0: i32) -> (i32, i32) {
    %c0_i32 = arith.constant 0 : i32
    %c0_i32_0 = arith.constant 0 : i32
    %c0_i32_1 = arith.constant 0 : i32
    return %c0_i32, %c0_i32_0 : i32, i32
  }
  func.func @transform_4(%arg0: i32) -> (i32, i32) {
    %c0_i32 = arith.constant 0 : i32
    %c0_i32_0 = arith.constant 0 : i32
    %c0_i32_1 = arith.constant 0 : i32
    return %c0_i32, %c0_i32_0 : i32, i32
  }
  func.func @transform_5(%arg0: i32) -> (i32, i32) {
    %c0_i32 = arith.constant 0 : i32
    %c0_i32_0 = arith.constant 0 : i32
    return %arg0, %c0_i32 : i32, i32
  }
}

</mosaic_0001>

<sc_bundles>
// kernel: kernel.6.cloned.1.call-start
scs
__scs_entry_jumppad:
0x0: {  	(pc) =	sbr.rel $0x88, $3  }
0x1: {  	(tag) =	ssettag $0x0;
	lr =	simm.s32 $0x1  }
0x2: {  	[smem:$0x3F9B] =	sst lr;
	_ =	strace $0xD0000000  }
0x3: {  	_ = 	snop  }
0x4: {  	_ = 	snop  }
0x5: {  	_ = 	snop  }
0x6: {  	_ = 	snop  }
0x7: {  	_ = 	snop  }
__scs_overlays_trampoline_lowered:
0x8: {  	[smem:$0x3FAA] =	sst s0  }
0x9: {  	[smem:$0x3FAB] =	sst s1  }
0xa: {  	[smem:$0x3FAC] =	sst s2  }
0xb: {  	[smem:$0x3FAD] =	sst s3  }
0xc: {  	[smem:$0x3FAE] =	sst s4  }
0xd: {  	[smem:$0x3FAF] =	sst s5  }
0xe: {  	[smem:$0x3FB0] =	sst s6  }
0xf: {  	[smem:$0x3FB1] =	sst s7  }
0x10: {  	[smem:$0x3FB2] =	sst s8  }
0x11: {  	[smem:$0x3FB3] =	sst s9;
	s0 =	simm.s32 @!p0 $0x0  }
0x12: {  	s1 =	sld [smem:$0x3F99];
	s0 =	simm.s32 @p0 $0x1  }
0x13: {  	[smem:$0x3FB4] =	sst s0;
	s0 =	simm.s32 @!p1 $0x0  }
0x14: {  	s2 =	sld [smem:$0x3F98];
	s0 =	simm.s32 @p1 $0x1  }
0x15: {  	[smem:$0x3FB5] =	sst s0;
	s0 =	simm.s32 @!p2 $0x0  }
0x16: {  	s3 =	sld [smem:$0x3FDB];
	s0 =	simm.s32 @p2 $0x1  }
0x17: {  	s4 =	simm.s32 $0x1BF5;
	[smem:$0x3FB7] =	sst s0  }
0x18: {  	s0 =	sld [smem:$0x3F9A];
	_ =	swait.ge [sflag:s4], $0x0  }
0x19: {  	s7 =	sld [smem:$0x3F9B]  }
0x1a: {  	s8 =	sadd.s32 $0xFFFFE003, lr  }
0x1b: {  	s9 =	sadd.s32 $0xFFFFFEF7, lr;
	s5 =	simm.s32 $0xFFFFFFFF;
	p2 =	slt.u32 s8, $0xFFFFF086  }
0x1c: {  	p1 =	slt.u32 s9, $0xF7A;
	s5 =	simm.s32 @!p2 $0x0  }
0x1d: {  	s5 =	simm.s32 @p1 $0x1;
	p0 =	seq.s32 s7, s2  }
0x1e: {  	s7 =	smul.u32 @!p0 $0xF7A, s2;
	p2 =	seq.s32 @!p0 s5, $0x0  }
0x1f: {  	s9 =	smul.u32 $0xF7A, s1;
	s8 =	simm.s32 @!p0 $0x1BF5;
	p2 =	por !p2, p0  }
0x20: {  	[sflag:s8] =	ssyncset.s32 @!p0 $0xFFFFF086;
	s6 =	sadd.s32 @!p0 s3, s7;
	s7 =	simm.s32 @!p0 $0x108  }
0x21: {  	s3 =	sadd.s32 s3, s9;
	s6 =	sadd.s32 @!p0 $0x88, s6;
	s7 =	simm.s32 @p2 $0x1082  }
0x22: {  	[simem:s7], [sflag:s8] =	dma.local @!p0 [hbm:s6], $0xF7A  }
0x23: {  	s9 =	sor.u32 $0xD0000000, s2;
	s6 =	simm.s32 $0x108;
	_ =	swait.ge @!p0 [sflag:s8], $0x0  }
0x24: {  	s3 =	sadd.s32 $0x88, s3;
	s6 =	simm.s32 @!p1 $0x1082;
	[sflag:s4] =	ssyncset.s32 $0xFFFFF086  }
0x25: {  	[simem:s6], [sflag:s4] =	dma.local [hbm:s3], $0xF7A  }
0x26: {  	[smem:$0x3F9B] =	sst s1;
	(tag) =	ssettag s2;
	_ =	strace s9  }
0x27: {  	s1 =	sld [smem:$0x3FAB]  }
0x28: {  	s2 =	sld [smem:$0x3FAC]  }
0x29: {  	s4 =	sld [smem:$0x3FAE]  }
0x2a: {  	p0 =	seq.s32 s5, $0x0;
	s5 =	sld [smem:$0x3FAF]  }
0x2b: {  	s6 =	sld [smem:$0x3FB0]  }
0x2c: {  	s7 =	sld [smem:$0x3FB1]  }
0x2d: {  	s3 =	simm.s32 $0x108;
	s8 =	sld [smem:$0x3FB2]  }
0x2e: {  	s3 =	simm.s32 @!p0 $0x1082;
	s9 =	sld [smem:$0x3FB3]  }
0x2f: {  	lr =	sadd.s32 s0, s3;
	s0 =	sld [smem:$0x3FAA]  }
0x30: {  	s3 =	sld [smem:$0x3FAD]  }
0x31: {  	[smem:$0x3FB6] =	sst s10  }
0x32: {  	s10 =	sld [smem:$0x3FB4];
	_ =	sdelay $0x3  }
0x33: {  	p0 =	seq.s32 s10, $0x1;
	s10 =	sld [smem:$0x3FB6];
	_ =	sdelay $0x3  }
0x34: {  	[smem:$0x3FB6] =	sst s10  }
0x35: {  	s10 =	sld [smem:$0x3FB5];
	_ =	sdelay $0x3  }
0x36: {  	p1 =	seq.s32 s10, $0x1;
	s10 =	sld [smem:$0x3FB6];
	_ =	sdelay $0x3  }
0x37: {  	[smem:$0x3FB6] =	sst s10  }
0x38: {  	s10 =	sld [smem:$0x3FB7]  }
0x39: {  	_ = 	snop;
	(pc) =	sbr.ind lr, $3  }
0x3a: {  	_ = 	snop  }
0x3b: {  	_ = 	snop  }
0x3c: {  	p2 =	seq.s32 s10, $0x1;
	s10 =	sld [smem:$0x3FB6]  }
0x3d: {  	_ =	shalt  }
0x3e: {  	_ =	shalt  }
0x3f: {  	_ =	shalt  }
0x40: {  	_ =	shalt  }
0x41: {  	_ =	shalt  }
0x42: {  	_ =	shalt  }
0x43: {  	_ =	shalt  }
0x44: {  	_ =	shalt  }
0x45: {  	_ =	shalt  }
0x46: {  	_ =	shalt  }
0x47: {  	_ =	shalt  }
0x48: {  	_ =	shalt  }
0x49: {  	_ =	shalt  }
0x4a: {  	_ =	shalt  }
0x4b: {  	_ =	shalt  }
0x4c: {  	_ =	shalt  }
0x4d: {  	_ =	shalt  }
0x4e: {  	_ =	shalt  }
0x4f: {  	_ =	shalt  }
0x50: {  	_ =	shalt  }
0x51: {  	_ =	shalt  }
0x52: {  	_ =	shalt  }
0x53: {  	_ =	shalt  }
0x54: {  	_ =	shalt  }
0x55: {  	_ =	shalt  }
0x56: {  	_ =	shalt  }
0x57: {  	_ =	shalt  }
0x58: {  	_ =	shalt  }
0x59: {  	_ =	shalt  }
0x5a: {  	_ =	shalt  }
0x5b: {  	_ =	shalt  }
0x5c: {  	_ =	shalt  }
0x5d: {  	_ =	shalt  }
0x5e: {  	_ =	shalt  }
0x5f: {  	_ =	shalt  }
0x60: {  	_ =	shalt  }
0x61: {  	_ =	shalt  }
0x62: {  	_ =	shalt  }
0x63: {  	_ =	shalt  }
0x64: {  	_ =	shalt  }
0x65: {  	_ =	shalt  }
0x66: {  	_ =	shalt  }
0x67: {  	_ =	shalt  }
0x68: {  	_ =	shalt  }
0x69: {  	_ =	shalt  }
0x6a: {  	_ =	shalt  }
0x6b: {  	_ =	shalt  }
0x6c: {  	_ =	shalt  }
0x6d: {  	_ =	shalt  }
0x6e: {  	_ =	shalt  }
0x6f: {  	_ =	shalt  }
0x70: {  	_ =	shalt  }
0x71: {  	_ =	shalt  }
0x72: {  	_ =	shalt  }
0x73: {  	_ =	shalt  }
0x74: {  	_ =	shalt  }
0x75: {  	_ =	shalt  }
0x76: {  	_ =	shalt  }
0x77: {  	_ =	shalt  }
0x78: {  	_ =	shalt  }
0x79: {  	_ =	shalt  }
0x7a: {  	_ =	shalt  }
0x7b: {  	_ =	shalt  }
0x7c: {  	_ =	shalt  }
0x7d: {  	_ =	shalt  }
0x7e: {  	_ =	shalt  }
0x7f: {  	_ =	shalt  }
0x80: {  	_ =	shalt  }
0x81: {  	_ =	shalt  }
0x82: {  	_ =	shalt  }
0x83: {  	_ =	shalt  }
0x84: {  	_ =	shalt  }
0x85: {  	_ =	shalt  }
0x86: {  	_ =	shalt  }
0x87: {  	_ =	shalt  }
.Lfunc_end0:
.L_simem_size_0:
called_computation_lowered:
.L_overlay_start_0:
0x88: {  	s2 =	sld [smem:$0x3FD9]  }
0x89: {  	s3 =	sld [smem:$0x3FFE];
	_ =	sdelay $0x1  }
0x8a: {  	s1 =	srdreg.scid  }
0x8b: {  	s0 =	sand.u32 $0x1, s1  }
0x8c: {  	s17 =	sshll.u32 s0, $0xA;
	s2 =	sadd.s32 s3, s2  }
0x8d: {  	s2 =	sadd.s32 s2, s17  }
0x8e: {  	[smem:$0x3FC2] =	sst s2  }
0x8f: {  	_ = 	snop  }
0x90: {  	s2 =	sld [smem:$0x3FD0];
	(tm) =	ssettm $0x1  }
0x91: {  	s18 =	sld [smem:$0x3FFB];
	_ =	sdelay $0x3  }
0x92: {  	_ =	strace s18  }
0x93: {  	s3 =	sld [smem:$0x3FFC];
	_ =	sdelay $0x3  }
0x94: {  	_ =	strace s3  }
0x95: {  	s3 =	sld [smem:$0x3FFD];
	_ =	sdelay $0x3  }
0x96: {  	_ =	strace s3  }
0x97: {  	_ =	strace $0x8FFFFFFF  }
0x98: {  	s19 =	sld [smem:$0x3FDB];
	_ =	sdelay $0x1  }
0x99: {  	s4 =	simm.s32 $_scs_section_size  }
0x9a: {  	s5 =	simm.s32 $_size__tile_overlayer_lowered;
	s6 =	simm.s32 $_tile_overlayer_lowered  }
0x9b: {  	s22 =	simm.s32 $0x1BFF;
	s21 =	sshll.u32 s6, $0x1;
	s3 =	sadd.s32 s4, s19  }
0x9c: {  	s7 =	simm.s32 $0x0;
	s20 =	sshll.u32 s5, $0x1;
	s5 =	sadd.s32 s21, s3  }
0x9d: {  	[timem:s7], [sflag:s22] =	dma.local [hbm:s5], s20  }
0x9e: {  	_ =	swait.ge [sflag:s22], s20  }
0x9f: {  	s4 =	ssub.s32 $0x0, s20;
	[sflag:s22] =	ssyncset.done $0x0  }
0xa0: {  	[sflag:s22] =	ssyncadd.s32 s4;
	_ =	sdelay $0x1  }
0xa1: {  	s23 =	simm.s32 $0x1B8B  }
0xa2: {  	_ =	swait.ge [sflag:s23], $0x1  }
0xa3: {  	[sflag:s23] =	ssyncset.done $0x0  }
0xa4: {  	s25 =	simm.s32 $0x1B8E;
	s24 =	sld [smem:$0x3FFE];
	[sflag:s23] =	ssyncadd.s32 $0xFFFFFFFF  }
0xa5: {  	s26 =	simm.s32 $execute0_lowered;
	[smem:$0x3FD2] =	sst s25  }
0xa6: {  	s5 =	sshll.u32 s26, $0x1;
	_ =	strace $0x80000046;
	[dreg:$0x1] =	wrdreg $0xFFFFFFFF  }
0xa7: {  	s28 =	simm.s32 $_size_execute0_lowered;
	s3 =	sadd.s32 s3, s5;
	[dreg:$0x0] =	wrdreg $0x0  }
0xa8: {  	s5 =	sshll.u32 s28, $0x1;
	[dreg:$0x2] =	wrdreg s3  }
0xa9: {  	[dreg:$0x3] =	wrdreg s5  }
0xaa: {  	[dreg:$0x4] =	wrdreg $0xC0  }
0xab: {  	_ =	task [dreg:s7], $0x5FFFF  }
0xac: {  	[dreg:$0x1] =	wrdreg $0xFFFFFFFF  }
0xad: {  	[dreg:$0x0] =	wrdreg $0x60  }
0xae: {  	[dreg:$0x2] =	wrdreg s2  }
0xaf: {  	[dreg:$0x3] =	wrdreg s24  }
0xb0: {  	[dreg:$0x4] =	wrdreg $0x17000  }
0xb1: {  	[dreg:$0x5] =	wrdreg $0x9  }
0xb2: {  	_ =	task.clear_ibuf [dreg:s7], $0x6FFFF;
	_ =	strace $0x90000046  }
0xb3: {  	s29 =	simm.s32 $0x9;
	_ =	strace $0x80000048  }
0xb4: {  	_ =	swait.ge [sflag:s29], $0x1  }
0xb5: {  	[sflag:s29] =	ssyncadd.s32 $0xFFFFFFFF  }
0xb6: {  	_ =	strace $0x90000048  }
0xb7: {  	_ =	sfence  }
0xb8: {  	s30 =	sld [smem:$0x0];
	_ =	sdelay $0x2  }
0xb9: {  	s31 =	sshll.u32 s1, $0xD;
	s1 =	sshrl.u32 s1, $0x2  }
0xba: {  	s3 =	sand.u32 $0x4000, s31;
	s1 =	sadd.s32 s1, s30  }
0xbb: {  	s0 =	sor.u32 s3, s0;
	s1 =	sshll.u32 s1, $0x11  }
0xbc: {  	s0 =	sor.u32 s1, s0  }
0xbd: {  	s0 =	sadd.s32 $0x8F2B, s0  }
0xbe: {  	[sflag:s0] =	ssyncadd.remote.s32 $0x1  }
0xbf: {  	_ =	sfence.sel $0xFFFF  }
0xc0: {  	[dreg:$0x0] =	wrdreg $0xFFFFFFFF;
	(pc) =	sbr.abs _section_cstart, $3  }
0xc1: {  	[dreg:$0x1] =	wrdreg $0xFFFFFFFF  }
0xc2: {  	_ =	task.clear_ibuf [dreg:s7], $0x2FFFF;
	_ =	strace $0x9FFFFFFF  }
0xc3: {  	(tm) =	ssettm $0x7FFFFFFF  }
tec
execute0_lowered:
.L_overlay_start_1:
0x0: {  	(tag) =	ssettag $0x1  }
0x1: {  	s0 =	rddreg [dreg:$0x0];
	s1 =	srdreg.scid  }
0x2: {  	s2 =	stileid.u32;
	s4 =	rddreg [dreg:$0x1];
	s3 =	simm.s32 $0x0  }
0x3: {  	s9 =	simm.s32 $0x2;
	s10 =	simm.s32 $0x80;
	s11 =	simm.s32 $0x1400  }
0x4: {  	s12 =	simm.s32 $0xC00;
	s13 =	simm.s32 $0xC80;
	s14 =	simm.s32 $0xD00  }
0x5: {  	s15 =	simm.s32 $0xD80;
	s16 =	simm.s32 $0xE00;
	s17 =	simm.s32 $0xE80  }
0x6: {  	s18 =	simm.s32 $0xF00;
	s19 =	simm.s32 $0xF80;
	s20 =	simm.s32 $0x1000  }
0x7: {  	s21 =	simm.s32 $0x1080;
	s22 =	simm.s32 $0x1100;
	s23 =	simm.s32 $0x1180  }
0x8: {  	s24 =	simm.s32 $0x1200;
	s25 =	simm.s32 $0x1280;
	s26 =	simm.s32 $0x1300  }
0x9: {  	s28 =	simm.s32 $0x1380;
	s1 =	sand.u32 $0x1, s1;
	s5 =	smul.u32 $0x280, s2  }
0xa: {  	s29 =	simm.s32 $0x1;
	s2 =	rddreg [dreg:$0x2];
	s6 =	smul.u32 $0x2800, s1  }
0xb: {  	s30 =	simm.s32 $0x0;
	[smem:$0x7FF] =	sst s3;
	s1 =	ssub.s32 $0x2, s1  }
0xc: {  	_ =	strace $0x80000047;
	s8 =	sshrl.u32 s1, $0x1;
	s6 =	sadd.s32 s5, s6  }
0xd: {  	s1 =	ssub.s32 s1, s8;
	s8 =	simm.s32 $0xB80;
	s7 =	sshrl.u32 s6, $0x3  }
0xe: {  	s7 =	sadd.s32 s7, s4;
	s4 =	sadd.s32 s5, s2;
	s5 =	sadd.s32 s0, s6  }
0xf: {  	v0 =	vimm.f32 $1.000000000e+00;
	v1 =	vimm.f32 $0.0e+00;
	s0 =	simm.s32 $0xB00;
	s6 =	sadd.s32 $0x5E00, s7;
	s7 =	smax.u32 s1, $0x1  }
.LBB2_1:
0x10: {  	[tilespmem:$0x1400] =	vst v0  }
0x11: {  	[tilespmem:$0x1410] =	vst v0  }
0x12: {  	[tilespmem:$0x1420] =	vst v0  }
0x13: {  	[tilespmem:$0x1430] =	vst v0  }
0x14: {  	[tilespmem:$0x1440] =	vst v0  }
0x15: {  	[tilespmem:$0x1450] =	vst v0  }
0x16: {  	[tilespmem:$0x1460] =	vst v0  }
0x17: {  	[tilespmem:$0x1470] =	vst v0  }
0x18: {  	[tilespmem:$0x1480] =	vst v1  }
0x19: {  	[tilespmem:$0x1490] =	vst v1  }
0x1a: {  	[tilespmem:$0x14A0] =	vst v1  }
0x1b: {  	[tilespmem:$0x14B0] =	vst v1  }
0x1c: {  	[tilespmem:$0x14C0] =	vst v1  }
0x1d: {  	[tilespmem:$0x14D0] =	vst v1  }
0x1e: {  	[tilespmem:$0x14E0] =	vst v1  }
0x1f: {  	[tilespmem:$0x14F0] =	vst v1  }
0x20: {  	[tilespmem:$0x1500] =	vst v1  }
0x21: {  	[tilespmem:$0x1510] =	vst v1  }
0x22: {  	[tilespmem:$0x1520] =	vst v1  }
0x23: {  	[tilespmem:$0x1530] =	vst v1  }
0x24: {  	[tilespmem:$0x1540] =	vst v1  }
0x25: {  	[tilespmem:$0x1550] =	vst v1  }
0x26: {  	[tilespmem:$0x1560] =	vst v1  }
0x27: {  	[tilespmem:$0x1570] =	vst v1  }
0x28: {  	[tilespmem:$0x1580] =	vst v1  }
0x29: {  	[tilespmem:$0x1590] =	vst v1  }
0x2a: {  	[tilespmem:$0x15A0] =	vst v1  }
0x2b: {  	[tilespmem:$0x15B0] =	vst v1  }
0x2c: {  	[tilespmem:$0x15C0] =	vst v1  }
0x2d: {  	[tilespmem:$0x15D0] =	vst v1  }
0x2e: {  	[tilespmem:$0x15E0] =	vst v1  }
0x2f: {  	[tilespmem:$0x15F0] =	vst v1  }
0x30: {  	[tilespmem:$0x1600] =	vst v1  }
0x31: {  	[tilespmem:$0x1610] =	vst v1  }
0x32: {  	[tilespmem:$0x1620] =	vst v1  }
0x33: {  	[tilespmem:$0x1630] =	vst v1  }
0x34: {  	[tilespmem:$0x1640] =	vst v1  }
0x35: {  	[tilespmem:$0x1650] =	vst v1  }
0x36: {  	[tilespmem:$0x1660] =	vst v1  }
0x37: {  	[tilespmem:$0x1670] =	vst v1  }
0x38: {  	[tilespmem:$0x1680] =	vst v1  }
0x39: {  	[tilespmem:$0x1690] =	vst v1  }
0x3a: {  	[tilespmem:$0x16A0] =	vst v1  }
0x3b: {  	[tilespmem:$0x16B0] =	vst v1  }
0x3c: {  	[tilespmem:$0x16C0] =	vst v1  }
0x3d: {  	[tilespmem:$0x16D0] =	vst v1  }
0x3e: {  	[tilespmem:$0x16E0] =	vst v1  }
0x3f: {  	[tilespmem:$0x16F0] =	vst v1;
	s1 =	simm.s32 $0x1480  }
0x40: {  	[spmem:s4] =	stream.linear.scatter [tilespmem:s1], [sflag:$0x2], $0x280, $0x38;
	[tilespmem:$0x1980] =	vst v63  }
0x41: {  	_ =	swait.ge [sflag:s9], $0x280  }
0x42: {  	[sflag:s9] =	ssyncset.done $0x0  }
0x43: {  	[sflag:s9] =	ssyncadd.s32 $0xFFFFFD80  }
0x44: {  	[tilespmem:s3], [sflag:$0x2] =	stream.linear.gather [hbm4b:s5+s3], $0x1400, $0x38;
	[tilespmem:$0x1980] =	vst v63  }
0x45: {  	_ =	swait.ge [sflag:s9], $0x1400  }
0x46: {  	[sflag:s9] =	ssyncset.done $0x0  }
0x47: {  	[sflag:s9] =	ssyncadd.s32 $0xFFFFEC00  }
0x48: {  	[bflag:$0x0] =	sbarrier.arrive $0xFFFF  }
0x49: {  	[spmem:s2] =	stream.indirect.scatter.add.f32 [tilespmem:s11], [sflag:$0x1], $0x1, s3, s10, $0xb8;
	[tilespmem:$0x1980] =	vst v63  }
0x4a: {  	_ = 	snop  }
0x4b: {  	[spmem:s2] =	stream.indirect.scatter.add.f32 [tilespmem:s11], [sflag:$0x1], $0x1, s10, s10, $0xb8;
	[tilespmem:$0x1980] =	vst v63  }
0x4c: {  	s1 =	simm.s32 $0x100  }
0x4d: {  	[spmem:s2] =	stream.indirect.scatter.add.f32 [tilespmem:s11], [sflag:$0x1], $0x1, s1, s10, $0xb8;
	[tilespmem:$0x1980] =	vst v63  }
0x4e: {  	s1 =	simm.s32 $0x180  }
0x4f: {  	[spmem:s2] =	stream.indirect.scatter.add.f32 [tilespmem:s11], [sflag:$0x1], $0x1, s1, s10, $0xb8;
	[tilespmem:$0x1980] =	vst v63  }
0x50: {  	s1 =	simm.s32 $0x200  }
0x51: {  	[spmem:s2] =	stream.indirect.scatter.add.f32 [tilespmem:s11], [sflag:$0x1], $0x1, s1, s10, $0xb8;
	[tilespmem:$0x1980] =	vst v63  }
0x52: {  	s1 =	simm.s32 $0x280  }
0x53: {  	[spmem:s2] =	stream.indirect.scatter.add.f32 [tilespmem:s11], [sflag:$0x1], $0x1, s1, s10, $0xb8;
	[tilespmem:$0x1980] =	vst v63  }
0x54: {  	s1 =	simm.s32 $0x300  }
0x55: {  	[spmem:s2] =	stream.indirect.scatter.add.f32 [tilespmem:s11], [sflag:$0x1], $0x1, s1, s10, $0xb8;
	[tilespmem:$0x1980] =	vst v63  }
0x56: {  	s1 =	simm.s32 $0x380  }
0x57: {  	[spmem:s2] =	stream.indirect.scatter.add.f32 [tilespmem:s11], [sflag:$0x1], $0x1, s1, s10, $0xb8;
	[tilespmem:$0x1980] =	vst v63  }
0x58: {  	s1 =	simm.s32 $0x400  }
0x59: {  	[spmem:s2] =	stream.indirect.scatter.add.f32 [tilespmem:s11], [sflag:$0x1], $0x1, s1, s10, $0xb8;
	[tilespmem:$0x1980] =	vst v63  }
0x5a: {  	s1 =	simm.s32 $0x480  }
0x5b: {  	[spmem:s2] =	stream.indirect.scatter.add.f32 [tilespmem:s11], [sflag:$0x1], $0x1, s1, s10, $0xb8;
	[tilespmem:$0x1980] =	vst v63  }
0x5c: {  	s1 =	simm.s32 $0x500  }
0x5d: {  	[spmem:s2] =	stream.indirect.scatter.add.f32 [tilespmem:s11], [sflag:$0x1], $0x1, s1, s10, $0xb8;
	[tilespmem:$0x1980] =	vst v63  }
0x5e: {  	s1 =	simm.s32 $0x580  }
0x5f: {  	[spmem:s2] =	stream.indirect.scatter.add.f32 [tilespmem:s11], [sflag:$0x1], $0x1, s1, s10, $0xb8;
	[tilespmem:$0x1980] =	vst v63  }
0x60: {  	s1 =	simm.s32 $0x600  }
0x61: {  	[spmem:s2] =	stream.indirect.scatter.add.f32 [tilespmem:s11], [sflag:$0x1], $0x1, s1, s10, $0xb8;
	[tilespmem:$0x1980] =	vst v63  }
0x62: {  	s1 =	simm.s32 $0x680  }
0x63: {  	[spmem:s2] =	stream.indirect.scatter.add.f32 [tilespmem:s11], [sflag:$0x1], $0x1, s1, s10, $0xb8;
	[tilespmem:$0x1980] =	vst v63  }
0x64: {  	s1 =	simm.s32 $0x700  }
0x65: {  	[spmem:s2] =	stream.indirect.scatter.add.f32 [tilespmem:s11], [sflag:$0x1], $0x1, s1, s10, $0xb8;
	[tilespmem:$0x1980] =	vst v63  }
0x66: {  	s1 =	simm.s32 $0x780  }
0x67: {  	[spmem:s2] =	stream.indirect.scatter.add.f32 [tilespmem:s11], [sflag:$0x1], $0x1, s1, s10, $0xb8;
	[tilespmem:$0x1980] =	vst v63  }
0x68: {  	s1 =	simm.s32 $0x800  }
0x69: {  	[spmem:s2] =	stream.indirect.scatter.add.f32 [tilespmem:s11], [sflag:$0x1], $0x1, s1, s10, $0xb8;
	[tilespmem:$0x1980] =	vst v63  }
0x6a: {  	s1 =	simm.s32 $0x880  }
0x6b: {  	[spmem:s2] =	stream.indirect.scatter.add.f32 [tilespmem:s11], [sflag:$0x1], $0x1, s1, s10, $0xb8;
	[tilespmem:$0x1980] =	vst v63  }
0x6c: {  	s1 =	simm.s32 $0x900  }
0x6d: {  	[spmem:s2] =	stream.indirect.scatter.add.f32 [tilespmem:s11], [sflag:$0x1], $0x1, s1, s10, $0xb8;
	[tilespmem:$0x1980] =	vst v63  }
0x6e: {  	s1 =	simm.s32 $0x980  }
0x6f: {  	[spmem:s2] =	stream.indirect.scatter.add.f32 [tilespmem:s11], [sflag:$0x1], $0x1, s1, s10, $0xb8;
	[tilespmem:$0x1980] =	vst v63  }
0x70: {  	s1 =	simm.s32 $0xA00  }
0x71: {  	[spmem:s2] =	stream.indirect.scatter.add.f32 [tilespmem:s11], [sflag:$0x1], $0x1, s1, s10, $0xb8;
	[tilespmem:$0x1980] =	vst v63  }
0x72: {  	s1 =	simm.s32 $0xA80  }
0x73: {  	[spmem:s2] =	stream.indirect.scatter.add.f32 [tilespmem:s11], [sflag:$0x1], $0x1, s1, s10, $0xb8;
	[tilespmem:$0x1980] =	vst v63  }
0x74: {  	_ = 	snop  }
0x75: {  	[spmem:s2] =	stream.indirect.scatter.add.f32 [tilespmem:s11], [sflag:$0x1], $0x1, s0, s10, $0xb8;
	[tilespmem:$0x1980] =	vst v63  }
0x76: {  	_ = 	snop  }
0x77: {  	[spmem:s2] =	stream.indirect.scatter.add.f32 [tilespmem:s11], [sflag:$0x1], $0x1, s8, s10, $0xb8;
	[tilespmem:$0x1980] =	vst v63  }
0x78: {  	_ = 	snop  }
0x79: {  	[spmem:s2] =	stream.indirect.scatter.add.f32 [tilespmem:s11], [sflag:$0x1], $0x1, s12, s10, $0xb8;
	[tilespmem:$0x1980] =	vst v63  }
0x7a: {  	_ = 	snop  }
0x7b: {  	[spmem:s2] =	stream.indirect.scatter.add.f32 [tilespmem:s11], [sflag:$0x1], $0x1, s13, s10, $0xb8;
	[tilespmem:$0x1980] =	vst v63  }
0x7c: {  	_ = 	snop  }
0x7d: {  	[spmem:s2] =	stream.indirect.scatter.add.f32 [tilespmem:s11], [sflag:$0x1], $0x1, s14, s10, $0xb8;
	[tilespmem:$0x1980] =	vst v63  }
0x7e: {  	_ = 	snop  }
0x7f: {  	[spmem:s2] =	stream.indirect.scatter.add.f32 [tilespmem:s11], [sflag:$0x1], $0x1, s15, s10, $0xb8;
	[tilespmem:$0x1980] =	vst v63  }
0x80: {  	_ = 	snop  }
0x81: {  	[spmem:s2] =	stream.indirect.scatter.add.f32 [tilespmem:s11], [sflag:$0x1], $0x1, s16, s10, $0xb8;
	[tilespmem:$0x1980] =	vst v63  }
0x82: {  	_ = 	snop  }
0x83: {  	[spmem:s2] =	stream.indirect.scatter.add.f32 [tilespmem:s11], [sflag:$0x1], $0x1, s17, s10, $0xb8;
	[tilespmem:$0x1980] =	vst v63  }
0x84: {  	_ = 	snop  }
0x85: {  	[spmem:s2] =	stream.indirect.scatter.add.f32 [tilespmem:s11], [sflag:$0x1], $0x1, s18, s10, $0xb8;
	[tilespmem:$0x1980] =	vst v63  }
0x86: {  	_ = 	snop  }
0x87: {  	[spmem:s2] =	stream.indirect.scatter.add.f32 [tilespmem:s11], [sflag:$0x1], $0x1, s19, s10, $0xb8;
	[tilespmem:$0x1980] =	vst v63  }
0x88: {  	_ = 	snop  }
0x89: {  	[spmem:s2] =	stream.indirect.scatter.add.f32 [tilespmem:s11], [sflag:$0x1], $0x1, s20, s10, $0xb8;
	[tilespmem:$0x1980] =	vst v63  }
0x8a: {  	_ = 	snop  }
0x8b: {  	[spmem:s2] =	stream.indirect.scatter.add.f32 [tilespmem:s11], [sflag:$0x1], $0x1, s21, s10, $0xb8;
	[tilespmem:$0x1980] =	vst v63  }
0x8c: {  	_ = 	snop  }
0x8d: {  	[spmem:s2] =	stream.indirect.scatter.add.f32 [tilespmem:s11], [sflag:$0x1], $0x1, s22, s10, $0xb8;
	[tilespmem:$0x1980] =	vst v63  }
0x8e: {  	_ = 	snop  }
0x8f: {  	[spmem:s2] =	stream.indirect.scatter.add.f32 [tilespmem:s11], [sflag:$0x1], $0x1, s23, s10, $0xb8;
	[tilespmem:$0x1980] =	vst v63  }
0x90: {  	_ = 	snop  }
0x91: {  	[spmem:s2] =	stream.indirect.scatter.add.f32 [tilespmem:s11], [sflag:$0x1], $0x1, s24, s10, $0xb8;
	[tilespmem:$0x1980] =	vst v63  }
0x92: {  	_ = 	snop  }
0x93: {  	[spmem:s2] =	stream.indirect.scatter.add.f32 [tilespmem:s11], [sflag:$0x1], $0x1, s25, s10, $0xb8;
	[tilespmem:$0x1980] =	vst v63  }
0x94: {  	_ = 	snop  }
0x95: {  	[spmem:s2] =	stream.indirect.scatter.add.f32 [tilespmem:s11], [sflag:$0x1], $0x1, s26, s10, $0xb8;
	[tilespmem:$0x1980] =	vst v63  }
0x96: {  	_ = 	snop  }
0x97: {  	[spmem:s2] =	stream.indirect.scatter.add.f32 [tilespmem:s11], [sflag:$0x1], $0x1, s28, s10, $0xb8;
	[tilespmem:$0x1980] =	vst v63  }
0x98: {  	_ =	swait.ge [sflag:s29], $0x80  }
0x99: {  	s31 =	simm.s32 $0x27;
	[sflag:s29] =	ssyncset.done $0x0  }
.LBB2_2:
0x9a: {  	p0 =	sne.s32 s31, $0x1;
	s31 =	sadd.s32 $0xFFFFFFFF, s31;
	[sflag:s29] =	ssyncadd.s32 $0xFFFFFF80  }
.Ltmp0:
0x9b: {  	(pc) =	sbr.rel @p0 .LBB2_2-.Ltmp0, $3  }
0x9c: {  	_ =	sdelay $0x1  }
0x9d: {  	_ =	swait.ge [sflag:s29], $0x80  }
0x9e: {  	[sflag:s29] =	ssyncset.done $0x0  }
0x9f: {  	[sflag:s29] =	ssyncadd.s32 $0xFFFFFF80;
	s1 =	stileid.u32;
	s30 =	sadd.s32 $0x1, s30  }
0xa0: {  	s31 =	sshll.u32 s1, $0x6;
	[bflag:$0x0] =	sbarrier.arrive $0xFFFF;
	p0 =	sne.s32 s30, s7  }
.Ltmp1:
0xa1: {  	s1 =	sshrl.u32 s4, $0x3;
	s31 =	sor.u32 $0x1C02, s31;
	(pc) =	sbr.rel @p0 .LBB2_1-.Ltmp1, $4  }
0xa2: {  	[hbm:s6], [sflag:s31] =	dma.local [spmem:s1], $0x50  }
0xa3: {  	_ =	swait.ge [sflag:s9], $0x50  }
0xa4: {  	[sflag:s9] =	ssyncset.done $0x0  }
0xa5: {  	[sflag:s9] =	ssyncadd.s32 $0xFFFFFFB0  }
0xa6: {  	_ =	sfence.sel $0x180000  }
0xa7: {  	[bflag:$0x0] =	sbarrier.arrive $0xFFFF  }
0xa8: {  	_ =	strace $0x90000047  }
0xa9: {  	s0 =	stileid.u32;
	[bflag:$0x2] =	sbarrier.arrive $0xFFFF  }
0xaa: {  	p0 =	sne.s32 s0, $0x0;
	s0 =	rddreg [dreg:$0x3]  }
0xab: {  	s0 =	sadd.s32 @!p0 $0x100000, s0  }
0xac: {  	[sflag:s0] =	ssyncadd.tile.s32 @!p0 $0x1;
	_ =	shalt  }
.Lfunc_end2:
_tile_overlayer_lowered:
.L_overlay_start_2:
0xad: {  	(tag) =	ssettag $0x2  }
0xae: {  	s0 =	rddreg [dreg:$0x0];
	s2 =	stileid.u32  }
0xaf: {  	s1 =	rddreg [dreg:$0x1];
	p0 =	sne.s32 s2, $0x0  }
0xb0: {  	s3 =	rddreg [dreg:$0x2];
	[bflag:$0x3] =	sbarrier.arrive $0xFFFF;
	s2 =	simm.s32 @!p0 $0x1C02  }
0xb1: {  	[timem:s3], [sflag:s2] =	dma.local @!p0 [hbm:s0], s1  }
0xb2: {  	s0 =	simm.s32 @!p0 $0x2  }
0xb3: {  	_ =	swait.ge @!p0 [sflag:s0], s1  }
0xb4: {  	s1 =	ssub.s32 @!p0 $0x0, s1;
	[sflag:s0] =	ssyncset.done @!p0 $0x0  }
0xb5: {  	[sflag:s0] =	ssyncadd.s32 @!p0 s1  }
0xb6: {  	[bflag:$0x3] =	sbarrier.arrive $0xFFFF  }
0xb7: {  	_ =	shalt  }

// kernel: kernel.9.cloned.1.call-start
scs
__scs_entry_jumppad:
0x0: {  	(pc) =	sbr.rel $0x88, $3  }
0x1: {  	(tag) =	ssettag $0x0;
	lr =	simm.s32 $0x1  }
0x2: {  	[smem:$0x3F9B] =	sst lr;
	_ =	strace $0xD0000000  }
0x3: {  	_ = 	snop  }
0x4: {  	_ = 	snop  }
0x5: {  	_ = 	snop  }
0x6: {  	_ = 	snop  }
0x7: {  	_ = 	snop  }
__scs_overlays_trampoline_lowered:
0x8: {  	[smem:$0x3FAA] =	sst s0  }
0x9: {  	[smem:$0x3FAB] =	sst s1  }
0xa: {  	[smem:$0x3FAC] =	sst s2  }
0xb: {  	[smem:$0x3FAD] =	sst s3  }
0xc: {  	[smem:$0x3FAE] =	sst s4  }
0xd: {  	[smem:$0x3FAF] =	sst s5  }
0xe: {  	[smem:$0x3FB0] =	sst s6  }
0xf: {  	[smem:$0x3FB1] =	sst s7  }
0x10: {  	[smem:$0x3FB2] =	sst s8  }
0x11: {  	[smem:$0x3FB3] =	sst s9;
	s0 =	simm.s32 @!p0 $0x0  }
0x12: {  	s1 =	sld [smem:$0x3F99];
	s0 =	simm.s32 @p0 $0x1  }
0x13: {  	[smem:$0x3FB4] =	sst s0;
	s0 =	simm.s32 @!p1 $0x0  }
0x14: {  	s2 =	sld [smem:$0x3F98];
	s0 =	simm.s32 @p1 $0x1  }
0x15: {  	[smem:$0x3FB5] =	sst s0;
	s0 =	simm.s32 @!p2 $0x0  }
0x16: {  	s3 =	sld [smem:$0x3FDB];
	s0 =	simm.s32 @p2 $0x1  }
0x17: {  	s4 =	simm.s32 $0x1BF5;
	[smem:$0x3FB7] =	sst s0  }
0x18: {  	s0 =	sld [smem:$0x3F9A];
	_ =	swait.ge [sflag:s4], $0x0  }
0x19: {  	s7 =	sld [smem:$0x3F9B]  }
0x1a: {  	s8 =	sadd.s32 $0xFFFFE003, lr  }
0x1b: {  	s9 =	sadd.s32 $0xFFFFFEF7, lr;
	s5 =	simm.s32 $0xFFFFFFFF;
	p2 =	slt.u32 s8, $0xFFFFF086  }
0x1c: {  	p1 =	slt.u32 s9, $0xF7A;
	s5 =	simm.s32 @!p2 $0x0  }
0x1d: {  	s5 =	simm.s32 @p1 $0x1;
	p0 =	seq.s32 s7, s2  }
0x1e: {  	s7 =	smul.u32 @!p0 $0xF7A, s2;
	p2 =	seq.s32 @!p0 s5, $0x0  }
0x1f: {  	s9 =	smul.u32 $0xF7A, s1;
	s8 =	simm.s32 @!p0 $0x1BF5;
	p2 =	por !p2, p0  }
0x20: {  	[sflag:s8] =	ssyncset.s32 @!p0 $0xFFFFF086;
	s6 =	sadd.s32 @!p0 s3, s7;
	s7 =	simm.s32 @!p0 $0x108  }
0x21: {  	s3 =	sadd.s32 s3, s9;
	s6 =	sadd.s32 @!p0 $0x88, s6;
	s7 =	simm.s32 @p2 $0x1082  }
0x22: {  	[simem:s7], [sflag:s8] =	dma.local @!p0 [hbm:s6], $0xF7A  }
0x23: {  	s9 =	sor.u32 $0xD0000000, s2;
	s6 =	simm.s32 $0x108;
	_ =	swait.ge @!p0 [sflag:s8], $0x0  }
0x24: {  	s3 =	sadd.s32 $0x88, s3;
	s6 =	simm.s32 @!p1 $0x1082;
	[sflag:s4] =	ssyncset.s32 $0xFFFFF086  }
0x25: {  	[simem:s6], [sflag:s4] =	dma.local [hbm:s3], $0xF7A  }
0x26: {  	[smem:$0x3F9B] =	sst s1;
	(tag) =	ssettag s2;
	_ =	strace s9  }
0x27: {  	s1 =	sld [smem:$0x3FAB]  }
0x28: {  	s2 =	sld [smem:$0x3FAC]  }
0x29: {  	s4 =	sld [smem:$0x3FAE]  }
0x2a: {  	p0 =	seq.s32 s5, $0x0;
	s5 =	sld [smem:$0x3FAF]  }
0x2b: {  	s6 =	sld [smem:$0x3FB0]  }
0x2c: {  	s7 =	sld [smem:$0x3FB1]  }
0x2d: {  	s3 =	simm.s32 $0x108;
	s8 =	sld [smem:$0x3FB2]  }
0x2e: {  	s3 =	simm.s32 @!p0 $0x1082;
	s9 =	sld [smem:$0x3FB3]  }
0x2f: {  	lr =	sadd.s32 s0, s3;
	s0 =	sld [smem:$0x3FAA]  }
0x30: {  	s3 =	sld [smem:$0x3FAD]  }
0x31: {  	[smem:$0x3FB6] =	sst s10  }
0x32: {  	s10 =	sld [smem:$0x3FB4];
	_ =	sdelay $0x3  }
0x33: {  	p0 =	seq.s32 s10, $0x1;
	s10 =	sld [smem:$0x3FB6];
	_ =	sdelay $0x3  }
0x34: {  	[smem:$0x3FB6] =	sst s10  }
0x35: {  	s10 =	sld [smem:$0x3FB5];
	_ =	sdelay $0x3  }
0x36: {  	p1 =	seq.s32 s10, $0x1;
	s10 =	sld [smem:$0x3FB6];
	_ =	sdelay $0x3  }
0x37: {  	[smem:$0x3FB6] =	sst s10  }
0x38: {  	s10 =	sld [smem:$0x3FB7]  }
0x39: {  	_ = 	snop;
	(pc) =	sbr.ind lr, $3  }
0x3a: {  	_ = 	snop  }
0x3b: {  	_ = 	snop  }
0x3c: {  	p2 =	seq.s32 s10, $0x1;
	s10 =	sld [smem:$0x3FB6]  }
0x3d: {  	_ =	shalt  }
0x3e: {  	_ =	shalt  }
0x3f: {  	_ =	shalt  }
0x40: {  	_ =	shalt  }
0x41: {  	_ =	shalt  }
0x42: {  	_ =	shalt  }
0x43: {  	_ =	shalt  }
0x44: {  	_ =	shalt  }
0x45: {  	_ =	shalt  }
0x46: {  	_ =	shalt  }
0x47: {  	_ =	shalt  }
0x48: {  	_ =	shalt  }
0x49: {  	_ =	shalt  }
0x4a: {  	_ =	shalt  }
0x4b: {  	_ =	shalt  }
0x4c: {  	_ =	shalt  }
0x4d: {  	_ =	shalt  }
0x4e: {  	_ =	shalt  }
0x4f: {  	_ =	shalt  }
0x50: {  	_ =	shalt  }
0x51: {  	_ =	shalt  }
0x52: {  	_ =	shalt  }
0x53: {  	_ =	shalt  }
0x54: {  	_ =	shalt  }
0x55: {  	_ =	shalt  }
0x56: {  	_ =	shalt  }
0x57: {  	_ =	shalt  }
0x58: {  	_ =	shalt  }
0x59: {  	_ =	shalt  }
0x5a: {  	_ =	shalt  }
0x5b: {  	_ =	shalt  }
0x5c: {  	_ =	shalt  }
0x5d: {  	_ =	shalt  }
0x5e: {  	_ =	shalt  }
0x5f: {  	_ =	shalt  }
0x60: {  	_ =	shalt  }
0x61: {  	_ =	shalt  }
0x62: {  	_ =	shalt  }
0x63: {  	_ =	shalt  }
0x64: {  	_ =	shalt  }
0x65: {  	_ =	shalt  }
0x66: {  	_ =	shalt  }
0x67: {  	_ =	shalt  }
0x68: {  	_ =	shalt  }
0x69: {  	_ =	shalt  }
0x6a: {  	_ =	shalt  }
0x6b: {  	_ =	shalt  }
0x6c: {  	_ =	shalt  }
0x6d: {  	_ =	shalt  }
0x6e: {  	_ =	shalt  }
0x6f: {  	_ =	shalt  }
0x70: {  	_ =	shalt  }
0x71: {  	_ =	shalt  }
0x72: {  	_ =	shalt  }
0x73: {  	_ =	shalt  }
0x74: {  	_ =	shalt  }
0x75: {  	_ =	shalt  }
0x76: {  	_ =	shalt  }
0x77: {  	_ =	shalt  }
0x78: {  	_ =	shalt  }
0x79: {  	_ =	shalt  }
0x7a: {  	_ =	shalt  }
0x7b: {  	_ =	shalt  }
0x7c: {  	_ =	shalt  }
0x7d: {  	_ =	shalt  }
0x7e: {  	_ =	shalt  }
0x7f: {  	_ =	shalt  }
0x80: {  	_ =	shalt  }
0x81: {  	_ =	shalt  }
0x82: {  	_ =	shalt  }
0x83: {  	_ =	shalt  }
0x84: {  	_ =	shalt  }
0x85: {  	_ =	shalt  }
0x86: {  	_ =	shalt  }
0x87: {  	_ =	shalt  }
.Lfunc_end0:
.L_simem_size_0:
called_computation.1_lowered:
.L_overlay_start_0:
0x88: {  	s2 =	sld [smem:$0x3FD9]  }
0x89: {  	s3 =	sld [smem:$0x3FFE];
	_ =	sdelay $0x1  }
0x8a: {  	s1 =	srdreg.scid  }
0x8b: {  	s0 =	sand.u32 $0x1, s1  }
0x8c: {  	s17 =	sshll.u32 s0, $0xA;
	s2 =	sadd.s32 s3, s2  }
0x8d: {  	s2 =	sadd.s32 s2, s17  }
0x8e: {  	[smem:$0x3FC2] =	sst s2  }
0x8f: {  	_ = 	snop  }
0x90: {  	s2 =	sld [smem:$0x3FD0];
	(tm) =	ssettm $0x1  }
0x91: {  	s18 =	sld [smem:$0x3FFB];
	_ =	sdelay $0x3  }
0x92: {  	_ =	strace s18  }
0x93: {  	s3 =	sld [smem:$0x3FFC];
	_ =	sdelay $0x3  }
0x94: {  	_ =	strace s3  }
0x95: {  	s3 =	sld [smem:$0x3FFD];
	_ =	sdelay $0x3  }
0x96: {  	_ =	strace s3  }
0x97: {  	_ =	strace $0x8FFFFFFF  }
0x98: {  	s19 =	sld [smem:$0x3FDB];
	_ =	sdelay $0x1  }
0x99: {  	s4 =	simm.s32 $_scs_section_size  }
0x9a: {  	s5 =	simm.s32 $_size__tile_overlayer_lowered;
	s6 =	simm.s32 $_tile_overlayer_lowered  }
0x9b: {  	s22 =	simm.s32 $0x1BFF;
	s21 =	sshll.u32 s6, $0x1;
	s3 =	sadd.s32 s4, s19  }
0x9c: {  	s7 =	simm.s32 $0x0;
	s20 =	sshll.u32 s5, $0x1;
	s5 =	sadd.s32 s21, s3  }
0x9d: {  	[timem:s7], [sflag:s22] =	dma.local [hbm:s5], s20  }
0x9e: {  	_ =	swait.ge [sflag:s22], s20  }
0x9f: {  	s4 =	ssub.s32 $0x0, s20;
	[sflag:s22] =	ssyncset.done $0x0  }
0xa0: {  	[sflag:s22] =	ssyncadd.s32 s4;
	_ =	sdelay $0x1  }
0xa1: {  	s23 =	simm.s32 $0x1B8B  }
0xa2: {  	_ =	swait.ge [sflag:s23], $0x1  }
0xa3: {  	[sflag:s23] =	ssyncset.done $0x0  }
0xa4: {  	s25 =	simm.s32 $0x1B8E;
	s24 =	sld [smem:$0x3FFE];
	[sflag:s23] =	ssyncadd.s32 $0xFFFFFFFF  }
0xa5: {  	s26 =	simm.s32 $execute0_lowered;
	[smem:$0x3FD2] =	sst s25  }
0xa6: {  	s5 =	sshll.u32 s26, $0x1;
	_ =	strace $0x80000049;
	[dreg:$0x1] =	wrdreg $0xFFFFFFFF  }
0xa7: {  	s28 =	simm.s32 $_size_execute0_lowered;
	s3 =	sadd.s32 s3, s5;
	[dreg:$0x0] =	wrdreg $0x0  }
0xa8: {  	s5 =	sshll.u32 s28, $0x1;
	[dreg:$0x2] =	wrdreg s3  }
0xa9: {  	[dreg:$0x3] =	wrdreg s5  }
0xaa: {  	[dreg:$0x4] =	wrdreg $0xC0  }
0xab: {  	_ =	task [dreg:s7], $0x5FFFF  }
0xac: {  	[dreg:$0x1] =	wrdreg $0xFFFFFFFF  }
0xad: {  	[dreg:$0x0] =	wrdreg $0x60  }
0xae: {  	[dreg:$0x2] =	wrdreg s24  }
0xaf: {  	[dreg:$0x3] =	wrdreg s2  }
0xb0: {  	[dreg:$0x4] =	wrdreg $0xA8000  }
0xb1: {  	[dreg:$0x5] =	wrdreg $0x9  }
0xb2: {  	_ =	task.clear_ibuf [dreg:s7], $0x6FFFF;
	_ =	strace $0x90000049  }
0xb3: {  	s29 =	simm.s32 $0x9;
	_ =	strace $0x8000004B  }
0xb4: {  	_ =	swait.ge [sflag:s29], $0x1  }
0xb5: {  	[sflag:s29] =	ssyncadd.s32 $0xFFFFFFFF  }
0xb6: {  	_ =	strace $0x9000004B  }
0xb7: {  	_ =	sfence  }
0xb8: {  	s30 =	sld [smem:$0x0];
	_ =	sdelay $0x2  }
0xb9: {  	s31 =	sshll.u32 s1, $0xD;
	s1 =	sshrl.u32 s1, $0x2  }
0xba: {  	s3 =	sand.u32 $0x4000, s31;
	s1 =	sadd.s32 s1, s30  }
0xbb: {  	s0 =	sor.u32 s3, s0;
	s1 =	sshll.u32 s1, $0x11  }
0xbc: {  	s0 =	sor.u32 s1, s0  }
0xbd: {  	s0 =	sadd.s32 $0x8F2B, s0  }
0xbe: {  	[sflag:s0] =	ssyncadd.remote.s32 $0x1  }
0xbf: {  	_ =	sfence.sel $0xFFFF  }
0xc0: {  	[dreg:$0x0] =	wrdreg $0xFFFFFFFF;
	(pc) =	sbr.abs _section_cstart, $3  }
0xc1: {  	[dreg:$0x1] =	wrdreg $0xFFFFFFFF  }
0xc2: {  	_ =	task.clear_ibuf [dreg:s7], $0x2FFFF;
	_ =	strace $0x9FFFFFFF  }
0xc3: {  	(tm) =	ssettm $0x7FFFFFFF  }
tec
execute0_lowered:
.L_overlay_start_1:
0x0: {  	(tag) =	ssettag $0x1  }
0x1: {  	s0 =	rddreg [dreg:$0x0]  }
0x2: {  	s12 =	rddreg [dreg:$0x1]  }
0x3: {  	s1 =	rddreg [dreg:$0x2]  }
0x4: {  	s3 =	simm.s32 $0x0;
	s2 =	srdreg.scid;
	s23 =	stileid.u32  }
0x5: {  	s19 =	simm.s32 $0x1400;
	s20 =	simm.s32 $0x80;
	s21 =	simm.s32 $0x2800  }
0x6: {  	s22 =	simm.s32 $0x3;
	s29 =	simm.s32 $0x2780;
	s6 =	smul.u32 $0x4E000, s23  }
0x7: {  	s30 =	simm.s32 $0x0;
	[smem:$0x7FF] =	sst s3;
	s8 =	smul.u32 $0x270, s23  }
0x8: {  	s5 =	sand.u32 $0x1, s2;
	s4 =	sadd.s32 $0x5E00, s0;
	s31 =	smul.u32 $0x2800, s23  }
0x9: {  	s11 =	sadd.s32 $0xE00, s0;
	s0 =	sadd.s32 $0x54000, s0;
	s10 =	smul.u32 $0x500, s23  }
0xa: {  	s17 =	sadd.s32 $0x138000, s1;
	p0 =	sne.s32 s23, $0xF;
	s28 =	smul.u32 $0x2710, s5  }
0xb: {  	_ =	strace $0x8000004A;
	s7 =	ssub.s32 $0x2, s5;
	s25 =	smul.u32 $0x138800, s5  }
0xc: {  	s17 =	sshrl.u32 @!p0 s17, $0x3;
	s9 =	sshrl.u32 s7, $0x1;
	s6 =	sshrl.u32 s6, $0x2  }
0xd: {  	s18 =	sshrl.u32 s31, $0x3;
	s15 =	ssub.s32 s7, s9;
	s24 =	sadd.s32 s8, s28  }
0xe: {  	s16 =	sadd.s32 s6, s1;
	s6 =	sshll.u32 s23, $0x6;
	s8 =	sshrl.u32 s25, $0x3  }
0xf: {  	s9 =	sadd.s32 s11, s10;
	s18 =	sadd.s32 $0x280, s18;
	s10 =	sadd.s32 s12, s10  }
0x10: {  	s23 =	simm.s32 $0x6800;
	s25 =	simm.s32 $0x2;
	v0 =	vmov s28;
	s28 =	simm.s32 $0x2700  }
0x11: {  	s13 =	sshll.u32 s24, $0x4;
	s7 =	sor.u32 $0x1C03, s6;
	s14 =	sadd.s32 $0x27000, s8  }
0x12: {  	s11 =	sadd.s32 s11, s18;
	s12 =	sadd.s32 s12, s18;
	s15 =	smax.u32 s15, $0x1  }
0x13: {  	s16 =	sshrl.u32 s16, $0x3;
	s18 =	simm.s32 $0x4;
	s24 =	simm.s32 $0x1  }
0x14: {  	s26 =	sadd.s32 s4, s13;
	s8 =	sadd.s32 s4, s14;
	s13 =	sadd.s32 s0, s13  }
0x15: {  	s14 =	sadd.s32 s0, s14;
	[dreg:$0x4] =	wrdreg s26;
	s26 =	simm.s32 $0x1380  }
.LBB2_1:
0x16: {  	s0 =	rddreg [dreg:$0x4]  }
0x17: {  	[spmem:s16], [sflag:s7] =	dma.local [hbm:s0], $0x2700  }
0x18: {  	s0 =	simm.s32 @!p0 $0x1FC4  }
0x19: {  	[spmem:s17], [sflag:s0] =	dma.local @!p0 [hbm:s8], $0x100  }
0x1a: {  	s0 =	simm.s32 @!p0 $0x4  }
0x1b: {  	_ =	swait.ge @!p0 [sflag:s0], $0x100  }
0x1c: {  	[sflag:s0] =	ssyncset.done @!p0 $0x0  }
0x1d: {  	s5 =	simm.s32 $0x0;
	[sflag:s0] =	ssyncadd.s32 @!p0 $0xFFFFFF00  }
0x1e: {  	[tilespmem:s5], [sflag:$0x4] =	stream.linear.gather [hbm4b:s9+s5], $0x1400, $0x38;
	[tilespmem:$0x1E800] =	vst v63  }
0x1f: {  	_ =	swait.ge [sflag:s18], $0x1400  }
0x20: {  	[sflag:s18] =	ssyncset.done $0x0  }
0x21: {  	[sflag:s18] =	ssyncadd.s32 $0xFFFFEC00  }
0x22: {  	[tilespmem:s19], [sflag:$0x4] =	stream.linear.gather [hbm4b:s10+s5], $0x1400, $0x38;
	[tilespmem:$0x1E800] =	vst v63  }
0x23: {  	_ =	swait.ge [sflag:s18], $0x1400  }
0x24: {  	[sflag:s18] =	ssyncset.done $0x0  }
0x25: {  	s31 =	simm.s32 $0x0;
	[sflag:s18] =	ssyncadd.s32 $0xFFFFEC00  }
0x26: {  	v3 =	vld [tilespmem:s31+$0x0]  }
0x27: {  	v5 =	vld [tilespmem:s31+$0x10]  }
0x28: {  	v4 =	vld [tilespmem:s31+$0x20]  }
0x29: {  	v2 =	vld [tilespmem:s31+$0x30]  }
0x2a: {  	v1 =	vld [tilespmem:s31+$0x40]  }
0x2b: {  	v6 =	vadd.s32 v0, v3;
	v3 =	vld [tilespmem:s31+$0x50]  }
0x2c: {  	s0 =	simm.s32 $0x200;
	[tilespmem:s31+$0x0] =	vst v6;
	v6 =	vadd.s32 v0, v5;
	v5 =	vld [tilespmem:s31+$0x60]  }
.LBB2_2:
0x2d: {  	s2 =	sshra.s32 s0, $0x2;
	p1 =	sne.s32 s0, $0x4E00;
	[tilespmem:s31+$0x10] =	vst v6;
	v4 =	vadd.s32 v0, v4;
	v6 =	vld [tilespmem:s31+$0x70]  }
0x2e: {  	v7 =	vld [tilespmem:s2+$0x0];
	[tilespmem:s31+$0x20] =	vst v4;
	v2 =	vadd.s32 v0, v2  }
0x2f: {  	v8 =	vld [tilespmem:s2+$0x10];
	[tilespmem:s31+$0x30] =	vst v2;
	v1 =	vadd.s32 v0, v1  }
.Ltmp0:
0x30: {  	v4 =	vld [tilespmem:s2+$0x20];
	[tilespmem:s31+$0x40] =	vst v1;
	v1 =	vadd.s32 v0, v3;
	(pc) =	sbr.rel @p1 .LBB2_2-.Ltmp0, $4  }
0x31: {  	v2 =	vld [tilespmem:s2+$0x30];
	[tilespmem:s31+$0x50] =	vst v1;
	v3 =	vadd.s32 v0, v5  }
0x32: {  	v1 =	vld [tilespmem:s2+$0x40];
	[tilespmem:s31+$0x60] =	vst v3;
	v5 =	vadd.s32 v0, v6  }
0x33: {  	v6 =	vadd.s32 v0, v7;
	v3 =	vld [tilespmem:s2+$0x50];
	[tilespmem:s31+$0x70] =	vst v5;
	s31 =	smov.u32 s2  }
0x34: {  	s0 =	sadd.s32 $0x200, s0;
	[tilespmem:s31+$0x0] =	vst v6;
	v6 =	vadd.s32 v0, v8;
	v5 =	vld [tilespmem:s31+$0x60]  }
0x35: {  	[tilespmem:s31+$0x10] =	vst v6;
	v4 =	vadd.s32 v0, v4;
	v63 =	vld [tilespmem:s31+$0x70]  }
0x36: {  	[tilespmem:s31+$0x20] =	vst v4;
	v2 =	vadd.s32 v0, v2  }
0x37: {  	[tilespmem:s31+$0x30] =	vst v2;
	v1 =	vadd.s32 v0, v1  }
0x38: {  	[tilespmem:s31+$0x40] =	vst v1;
	v1 =	vadd.s32 v0, v3  }
0x39: {  	[tilespmem:s31+$0x50] =	vst v1;
	v1 =	vadd.s32 v0, v5  }
0x3a: {  	[tilespmem:s31+$0x60] =	vst v1;
	v1 =	vadd.s32 v0, v63  }
0x3b: {  	s0 =	simm.s32 $0x0;
	[tilespmem:s31+$0x70] =	vst v1  }
0x3c: {  	[tilespmem:s21], [sflag:$0x1] =	stream.indirect.gather [hbm4b:s4+s20], $0x80, s0, s20, $0xb8;
	[tilespmem:$0x1E800] =	vst v63  }
0x3d: {  	_ =	swait.ge [sflag:s22], $0x2700  }
0x3e: {  	[sflag:s22] =	ssyncset.done $0x0  }
0x3f: {  	[sflag:s22] =	ssyncadd.s32 $0xFFFFD900  }
0x40: {  	s5 =	simm.s32 $0x80;
	[bflag:$0x0] =	sbarrier.arrive $0xFFFF  }
0x41: {  	[tilespmem:s23], [sflag:$0x2] =	stream.indirect.gather [hbm4b:s4+s20], $0x80, s5, s20, $0xb8;
	[tilespmem:$0x1E800] =	vst v63  }
0x42: {  	_ =	swait.ge [sflag:s24], $0x4000  }
0x43: {  	[sflag:s24] =	ssyncset.done $0x0  }
0x44: {  	s2 =	simm.s32 $0x1400;
	[sflag:s24] =	ssyncadd.s32 $0xFFFFC000  }
0x45: {  	[spmem:s1] =	stream.indirect.scatter.add.f32 [tilespmem:s21], [sflag:$0x4], $0x80, s2, s20, $0xb8;
	[tilespmem:$0x1E800] =	vst v63  }
0x46: {  	_ =	swait.ge [sflag:s18], $0x4000  }
0x47: {  	[sflag:s18] =	ssyncset.done $0x0  }
0x48: {  	s3 =	simm.s32 $0x100;
	[sflag:s18] =	ssyncadd.s32 $0xFFFFC000  }
0x49: {  	[tilespmem:s21], [sflag:$0x1] =	stream.indirect.gather [hbm4b:s4+s20], $0x80, s3, s20, $0xb8;
	[tilespmem:$0x1E800] =	vst v63  }
0x4a: {  	_ =	swait.ge [sflag:s25], $0x4000  }
0x4b: {  	[sflag:s25] =	ssyncset.done $0x0  }
0x4c: {  	s5 =	simm.s32 $0x1480;
	[sflag:s25] =	ssyncadd.s32 $0xFFFFC000  }
0x4d: {  	[spmem:s1] =	stream.indirect.scatter.add.f32 [tilespmem:s23], [sflag:$0x4], $0x80, s5, s20, $0xb8;
	[tilespmem:$0x1E800] =	vst v63  }
0x4e: {  	_ =	swait.ge [sflag:s18], $0x4000  }
0x4f: {  	s31 =	simm.s32 $0x100;
	s0 =	simm.s32 $0x800;
	[sflag:s18] =	ssyncset.done $0x0  }
.LBB2_4:
0x50: {  	s2 =	sadd.s32 $0x80, s31  }
0x51: {  	[sflag:s18] =	ssyncadd.s32 $0xFFFFC000;
	s3 =	smov.u32 s0;
	s5 =	sadd.s32 $0x400, s0  }
0x52: {  	[tilespmem:s23], [sflag:$0x2] =	stream.indirect.gather [hbm4b:s4+s20], $0x80, s2, s20, $0xb8;
	[tilespmem:$0x1E800] =	vst v63  }
0x53: {  	p1 =	sne.s32 s0, $0x4800;
	_ =	swait.ge [sflag:s24], $0x4000  }
0x54: {  	[sflag:s24] =	ssyncset.done $0x0  }
0x55: {  	s0 =	sadd.s32 $0x1400, s31;
	[sflag:s24] =	ssyncadd.s32 $0xFFFFC000  }
0x56: {  	[spmem:s1] =	stream.indirect.scatter.add.f32 [tilespmem:s21], [sflag:$0x4], $0x80, s0, s20, $0xb8;
	[tilespmem:$0x1E800] =	vst v63  }
0x57: {  	_ =	swait.ge [sflag:s18], $0x4000  }
0x58: {  	[sflag:s18] =	ssyncset.done $0x0  }
0x59: {  	s0 =	sadd.s32 $0x100, s31;
	[sflag:s18] =	ssyncadd.s32 $0xFFFFC000  }
0x5a: {  	[tilespmem:s21], [sflag:$0x1] =	stream.indirect.gather [hbm4b:s4+s20], $0x80, s0, s20, $0xb8;
	[tilespmem:$0x1E800] =	vst v63  }
0x5b: {  	_ =	swait.ge [sflag:s25], $0x4000  }
.Ltmp1:
0x5c: {  	[sflag:s25] =	ssyncset.done $0x0;
	(pc) =	sbr.rel @p1 .LBB2_4-.Ltmp1, $4  }
0x5d: {  	s0 =	sadd.s32 $0x1480, s31;
	[sflag:s25] =	ssyncadd.s32 $0xFFFFC000  }
0x5e: {  	[spmem:s1] =	stream.indirect.scatter.add.f32 [tilespmem:s23], [sflag:$0x4], $0x80, s0, s20, $0xb8;
	[tilespmem:$0x1E800] =	vst v63  }
0x5f: {  	_ =	swait.ge [sflag:s18], $0x4000  }
0x60: {  	s31 =	sshra.s32 s3, $0x2;
	s0 =	smov.u32 s5;
	[sflag:s18] =	ssyncset.done $0x0  }
0x61: {  	s0 =	sadd.s32 $0x80, s31;
	[sflag:s18] =	ssyncadd.s32 $0xFFFFC000  }
0x62: {  	[tilespmem:s23], [sflag:$0x2] =	stream.indirect.gather [hbm4b:s4+s20], $0x80, s0, s20, $0xb8;
	[tilespmem:$0x1E800] =	vst v63  }
0x63: {  	_ =	swait.ge [sflag:s24], $0x4000  }
0x64: {  	[sflag:s24] =	ssyncset.done $0x0  }
0x65: {  	s5 =	sadd.s32 $0x1400, s31;
	[sflag:s24] =	ssyncadd.s32 $0xFFFFC000  }
0x66: {  	[spmem:s1] =	stream.indirect.scatter.add.f32 [tilespmem:s21], [sflag:$0x4], $0x80, s5, s20, $0xb8;
	[tilespmem:$0x1E800] =	vst v63  }
0x67: {  	_ =	swait.ge [sflag:s18], $0x4000  }
0x68: {  	[sflag:s18] =	ssyncset.done $0x0  }
0x69: {  	s2 =	sadd.s32 $0x100, s31;
	[sflag:s18] =	ssyncadd.s32 $0xFFFFC000  }
0x6a: {  	[tilespmem:s21], [sflag:$0x1] =	stream.indirect.gather [hbm4b:s4+s20], $0x80, s2, s20, $0xb8;
	[tilespmem:$0x1E800] =	vst v63  }
0x6b: {  	_ =	swait.ge [sflag:s25], $0x4000  }
0x6c: {  	[sflag:s25] =	ssyncset.done $0x0  }
0x6d: {  	s3 =	sadd.s32 $0x1480, s31;
	[sflag:s25] =	ssyncadd.s32 $0xFFFFC000  }
0x6e: {  	[spmem:s1] =	stream.indirect.scatter.add.f32 [tilespmem:s23], [sflag:$0x4], $0x80, s3, s20, $0xb8;
	[tilespmem:$0x1E800] =	vst v63  }
0x6f: {  	_ =	swait.ge [sflag:s18], $0x4000  }
0x70: {  	[sflag:s18] =	ssyncset.done $0x0  }
0x71: {  	[sflag:s18] =	ssyncadd.s32 $0xFFFFC000  }
0x72: {  	[tilespmem:s23], [sflag:$0x2] =	stream.indirect.gather [hbm4b:s4+s20], $0x80, s26, s20, $0xb8;
	[tilespmem:$0x1E800] =	vst v63  }
0x73: {  	_ =	swait.ge [sflag:s24], $0x4000  }
0x74: {  	[sflag:s24] =	ssyncset.done $0x0  }
0x75: {  	[sflag:s24] =	ssyncadd.s32 $0xFFFFC000  }
0x76: {  	[spmem:s1] =	stream.indirect.scatter.add.f32 [tilespmem:s21], [sflag:$0x4], $0x80, s28, s20, $0xb8;
	[tilespmem:$0x1E800] =	vst v63  }
0x77: {  	_ =	swait.ge [sflag:s18], $0x4000  }
0x78: {  	[sflag:s18] =	ssyncset.done $0x0  }
0x79: {  	[sflag:s18] =	ssyncadd.s32 $0xFFFFC000  }
0x7a: {  	_ =	swait.ge [sflag:s25], $0x4000  }
0x7b: {  	[sflag:s25] =	ssyncset.done $0x0  }
0x7c: {  	[sflag:s25] =	ssyncadd.s32 $0xFFFFC000  }
0x7d: {  	[spmem:s1] =	stream.indirect.scatter.add.f32 [tilespmem:s23], [sflag:$0x4], $0x80, s29, s20, $0xb8;
	[tilespmem:$0x1E800] =	vst v63  }
0x7e: {  	_ =	swait.ge [sflag:s18], $0x4000  }
0x7f: {  	[sflag:s18] =	ssyncset.done $0x0  }
0x80: {  	s5 =	simm.s32 $0x0;
	[sflag:s18] =	ssyncadd.s32 $0xFFFFC000  }
0x81: {  	[tilespmem:s5], [sflag:$0x4] =	stream.linear.gather [hbm4b:s11+s5], $0x1400, $0x38;
	[tilespmem:$0x1E800] =	vst v63  }
0x82: {  	_ =	swait.ge [sflag:s18], $0x1400  }
0x83: {  	[sflag:s18] =	ssyncset.done $0x0  }
0x84: {  	[sflag:s18] =	ssyncadd.s32 $0xFFFFEC00  }
0x85: {  	[tilespmem:s19], [sflag:$0x4] =	stream.linear.gather [hbm4b:s12+s5], $0x1400, $0x38;
	[tilespmem:$0x1E800] =	vst v63  }
0x86: {  	_ =	swait.ge [sflag:s18], $0x1400  }
0x87: {  	[sflag:s18] =	ssyncset.done $0x0  }
0x88: {  	s31 =	simm.s32 $0x0;
	[sflag:s18] =	ssyncadd.s32 $0xFFFFEC00  }
0x89: {  	v3 =	vld [tilespmem:s31+$0x0]  }
0x8a: {  	v5 =	vld [tilespmem:s31+$0x10]  }
0x8b: {  	v4 =	vld [tilespmem:s31+$0x20]  }
0x8c: {  	v2 =	vld [tilespmem:s31+$0x30]  }
0x8d: {  	v1 =	vld [tilespmem:s31+$0x40]  }
0x8e: {  	v6 =	vadd.s32 v0, v3;
	v3 =	vld [tilespmem:s31+$0x50]  }
0x8f: {  	s0 =	simm.s32 $0x200;
	[tilespmem:s31+$0x0] =	vst v6;
	v6 =	vadd.s32 v0, v5;
	v5 =	vld [tilespmem:s31+$0x60]  }
.LBB2_6:
0x90: {  	s2 =	sshra.s32 s0, $0x2;
	p1 =	sne.s32 s0, $0x4E00;
	[tilespmem:s31+$0x10] =	vst v6;
	v4 =	vadd.s32 v0, v4;
	v6 =	vld [tilespmem:s31+$0x70]  }
0x91: {  	v7 =	vld [tilespmem:s2+$0x0];
	[tilespmem:s31+$0x20] =	vst v4;
	v2 =	vadd.s32 v0, v2  }
0x92: {  	v8 =	vld [tilespmem:s2+$0x10];
	[tilespmem:s31+$0x30] =	vst v2;
	v1 =	vadd.s32 v0, v1  }
.Ltmp2:
0x93: {  	v4 =	vld [tilespmem:s2+$0x20];
	[tilespmem:s31+$0x40] =	vst v1;
	v1 =	vadd.s32 v0, v3;
	(pc) =	sbr.rel @p1 .LBB2_6-.Ltmp2, $4  }
0x94: {  	v2 =	vld [tilespmem:s2+$0x30];
	[tilespmem:s31+$0x50] =	vst v1;
	v3 =	vadd.s32 v0, v5  }
0x95: {  	v1 =	vld [tilespmem:s2+$0x40];
	[tilespmem:s31+$0x60] =	vst v3;
	v5 =	vadd.s32 v0, v6  }
0x96: {  	v6 =	vadd.s32 v0, v7;
	v3 =	vld [tilespmem:s2+$0x50];
	[tilespmem:s31+$0x70] =	vst v5;
	s31 =	smov.u32 s2  }
0x97: {  	s0 =	sadd.s32 $0x200, s0;
	[tilespmem:s31+$0x0] =	vst v6;
	v6 =	vadd.s32 v0, v8;
	v5 =	vld [tilespmem:s31+$0x60]  }
0x98: {  	[tilespmem:s31+$0x10] =	vst v6;
	v4 =	vadd.s32 v0, v4;
	v63 =	vld [tilespmem:s31+$0x70]  }
0x99: {  	[tilespmem:s31+$0x20] =	vst v4;
	v2 =	vadd.s32 v0, v2  }
0x9a: {  	[tilespmem:s31+$0x30] =	vst v2;
	v1 =	vadd.s32 v0, v1  }
0x9b: {  	[tilespmem:s31+$0x40] =	vst v1;
	v1 =	vadd.s32 v0, v3  }
0x9c: {  	[tilespmem:s31+$0x50] =	vst v1;
	v1 =	vadd.s32 v0, v5  }
0x9d: {  	[tilespmem:s31+$0x60] =	vst v1;
	v1 =	vadd.s32 v0, v63  }
0x9e: {  	s0 =	simm.s32 $0x0;
	[tilespmem:s31+$0x70] =	vst v1  }
0x9f: {  	[tilespmem:s21], [sflag:$0x1] =	stream.indirect.gather [hbm4b:s4+s20], $0x80, s0, s20, $0xb8;
	[tilespmem:$0x1E800] =	vst v63  }
0xa0: {  	s5 =	simm.s32 $0x80  }
0xa1: {  	[tilespmem:s23], [sflag:$0x2] =	stream.indirect.gather [hbm4b:s4+s20], $0x80, s5, s20, $0xb8;
	[tilespmem:$0x1E800] =	vst v63  }
0xa2: {  	_ =	swait.ge [sflag:s24], $0x4000  }
0xa3: {  	[sflag:s24] =	ssyncset.done $0x0  }
0xa4: {  	s2 =	simm.s32 $0x1400;
	[sflag:s24] =	ssyncadd.s32 $0xFFFFC000  }
0xa5: {  	[spmem:s1] =	stream.indirect.scatter.add.f32 [tilespmem:s21], [sflag:$0x4], $0x80, s2, s20, $0xb8;
	[tilespmem:$0x1E800] =	vst v63  }
0xa6: {  	_ =	swait.ge [sflag:s18], $0x4000  }
0xa7: {  	[sflag:s18] =	ssyncset.done $0x0  }
0xa8: {  	s3 =	simm.s32 $0x100;
	[sflag:s18] =	ssyncadd.s32 $0xFFFFC000  }
0xa9: {  	[tilespmem:s21], [sflag:$0x1] =	stream.indirect.gather [hbm4b:s4+s20], $0x80, s3, s20, $0xb8;
	[tilespmem:$0x1E800] =	vst v63  }
0xaa: {  	_ =	swait.ge [sflag:s25], $0x4000  }
0xab: {  	[sflag:s25] =	ssyncset.done $0x0  }
0xac: {  	s5 =	simm.s32 $0x1480;
	[sflag:s25] =	ssyncadd.s32 $0xFFFFC000  }
0xad: {  	[spmem:s1] =	stream.indirect.scatter.add.f32 [tilespmem:s23], [sflag:$0x4], $0x80, s5, s20, $0xb8;
	[tilespmem:$0x1E800] =	vst v63  }
0xae: {  	_ =	swait.ge [sflag:s18], $0x4000  }
0xaf: {  	s31 =	simm.s32 $0x100;
	s0 =	simm.s32 $0x800;
	[sflag:s18] =	ssyncset.done $0x0  }
.LBB2_8:
0xb0: {  	s2 =	sadd.s32 $0x80, s31  }
0xb1: {  	[sflag:s18] =	ssyncadd.s32 $0xFFFFC000;
	s3 =	smov.u32 s0;
	s5 =	sadd.s32 $0x400, s0  }
0xb2: {  	[tilespmem:s23], [sflag:$0x2] =	stream.indirect.gather [hbm4b:s4+s20], $0x80, s2, s20, $0xb8;
	[tilespmem:$0x1E800] =	vst v63  }
0xb3: {  	p1 =	sne.s32 s0, $0x4800;
	_ =	swait.ge [sflag:s24], $0x4000  }
0xb4: {  	[sflag:s24] =	ssyncset.done $0x0  }
0xb5: {  	s0 =	sadd.s32 $0x1400, s31;
	[sflag:s24] =	ssyncadd.s32 $0xFFFFC000  }
0xb6: {  	[spmem:s1] =	stream.indirect.scatter.add.f32 [tilespmem:s21], [sflag:$0x4], $0x80, s0, s20, $0xb8;
	[tilespmem:$0x1E800] =	vst v63  }
0xb7: {  	_ =	swait.ge [sflag:s18], $0x4000  }
0xb8: {  	[sflag:s18] =	ssyncset.done $0x0  }
0xb9: {  	s0 =	sadd.s32 $0x100, s31;
	[sflag:s18] =	ssyncadd.s32 $0xFFFFC000  }
0xba: {  	[tilespmem:s21], [sflag:$0x1] =	stream.indirect.gather [hbm4b:s4+s20], $0x80, s0, s20, $0xb8;
	[tilespmem:$0x1E800] =	vst v63  }
0xbb: {  	_ =	swait.ge [sflag:s25], $0x4000  }
.Ltmp3:
0xbc: {  	[sflag:s25] =	ssyncset.done $0x0;
	(pc) =	sbr.rel @p1 .LBB2_8-.Ltmp3, $4  }
0xbd: {  	s0 =	sadd.s32 $0x1480, s31;
	[sflag:s25] =	ssyncadd.s32 $0xFFFFC000  }
0xbe: {  	[spmem:s1] =	stream.indirect.scatter.add.f32 [tilespmem:s23], [sflag:$0x4], $0x80, s0, s20, $0xb8;
	[tilespmem:$0x1E800] =	vst v63  }
0xbf: {  	_ =	swait.ge [sflag:s18], $0x4000  }
0xc0: {  	s31 =	sshra.s32 s3, $0x2;
	s0 =	smov.u32 s5;
	[sflag:s18] =	ssyncset.done $0x0  }
0xc1: {  	s0 =	sadd.s32 $0x80, s31;
	[sflag:s18] =	ssyncadd.s32 $0xFFFFC000  }
0xc2: {  	[tilespmem:s23], [sflag:$0x2] =	stream.indirect.gather [hbm4b:s4+s20], $0x80, s0, s20, $0xb8;
	[tilespmem:$0x1E800] =	vst v63  }
0xc3: {  	_ =	swait.ge [sflag:s24], $0x4000  }
0xc4: {  	[sflag:s24] =	ssyncset.done $0x0  }
0xc5: {  	s3 =	sadd.s32 $0x1400, s31;
	[sflag:s24] =	ssyncadd.s32 $0xFFFFC000  }
0xc6: {  	[spmem:s1] =	stream.indirect.scatter.add.f32 [tilespmem:s21], [sflag:$0x4], $0x80, s3, s20, $0xb8;
	[tilespmem:$0x1E800] =	vst v63  }
0xc7: {  	_ =	swait.ge [sflag:s18], $0x4000  }
0xc8: {  	[sflag:s18] =	ssyncset.done $0x0  }
0xc9: {  	s5 =	sadd.s32 $0x100, s31;
	[sflag:s18] =	ssyncadd.s32 $0xFFFFC000  }
0xca: {  	[tilespmem:s21], [sflag:$0x1] =	stream.indirect.gather [hbm4b:s4+s20], $0x80, s5, s20, $0xb8;
	[tilespmem:$0x1E800] =	vst v63  }
0xcb: {  	_ =	swait.ge [sflag:s25], $0x4000  }
0xcc: {  	[sflag:s25] =	ssyncset.done $0x0  }
0xcd: {  	s31 =	sadd.s32 $0x1480, s31;
	[sflag:s25] =	ssyncadd.s32 $0xFFFFC000  }
0xce: {  	[spmem:s1] =	stream.indirect.scatter.add.f32 [tilespmem:s23], [sflag:$0x4], $0x80, s31, s20, $0xb8;
	[tilespmem:$0x1E800] =	vst v63  }
0xcf: {  	_ =	swait.ge [sflag:s18], $0x4000  }
0xd0: {  	[sflag:s18] =	ssyncset.done $0x0  }
0xd1: {  	[sflag:s18] =	ssyncadd.s32 $0xFFFFC000  }
0xd2: {  	[tilespmem:s23], [sflag:$0x2] =	stream.indirect.gather [hbm4b:s4+s20], $0x80, s26, s20, $0xb8;
	[tilespmem:$0x1E800] =	vst v63  }
0xd3: {  	_ =	swait.ge [sflag:s24], $0x4000  }
0xd4: {  	[sflag:s24] =	ssyncset.done $0x0  }
0xd5: {  	[sflag:s24] =	ssyncadd.s32 $0xFFFFC000  }
0xd6: {  	[spmem:s1] =	stream.indirect.scatter.add.f32 [tilespmem:s21], [sflag:$0x4], $0x80, s28, s20, $0xb8;
	[tilespmem:$0x1E800] =	vst v63  }
0xd7: {  	_ =	swait.ge [sflag:s18], $0x4000  }
0xd8: {  	[sflag:s18] =	ssyncset.done $0x0  }
0xd9: {  	[sflag:s18] =	ssyncadd.s32 $0xFFFFC000  }
0xda: {  	_ =	swait.ge [sflag:s25], $0x4000  }
0xdb: {  	[sflag:s25] =	ssyncset.done $0x0  }
0xdc: {  	[sflag:s25] =	ssyncadd.s32 $0xFFFFC000  }
0xdd: {  	[spmem:s1] =	stream.indirect.scatter.add.f32 [tilespmem:s23], [sflag:$0x4], $0x80, s29, s20, $0xb8;
	[tilespmem:$0x1E800] =	vst v63  }
0xde: {  	_ =	swait.ge [sflag:s18], $0x4000  }
0xdf: {  	[sflag:s18] =	ssyncset.done $0x0  }
0xe0: {  	[sflag:s18] =	ssyncadd.s32 $0xFFFFC000  }
0xe1: {  	s0 =	sor.u32 $0x1C04, s6;
	[bflag:$0x0] =	sbarrier.arrive $0xFFFF  }
0xe2: {  	[hbm:s13], [sflag:s0] =	dma.local [spmem:s16], $0x2700  }
0xe3: {  	_ =	swait.ge [sflag:s18], $0x2700  }
0xe4: {  	s30 =	sadd.s32 $0x1, s30;
	[sflag:s18] =	ssyncset.done $0x0  }
0xe5: {  	p1 =	sne.s32 s30, s15;
	[sflag:s18] =	ssyncadd.s32 $0xFFFFD900  }
0xe6: {  	[hbm:s14], [sflag:s0] =	dma.local @!p0 [spmem:s17], $0x100  }
.Ltmp4:
0xe7: {  	_ = 	snop;
	(pc) =	sbr.rel @p1 .LBB2_1-.Ltmp4, $4  }
0xe8: {  	s0 =	simm.s32 @!p0 $0x4  }
0xe9: {  	_ =	swait.ge @!p0 [sflag:s0], $0x100  }
0xea: {  	[sflag:s0] =	ssyncset.done @!p0 $0x0  }
0xeb: {  	[sflag:s0] =	ssyncadd.s32 @!p0 $0xFFFFFF00  }
0xec: {  	_ =	sfence.sel $0x180000  }
0xed: {  	[bflag:$0x0] =	sbarrier.arrive $0xFFFF  }
0xee: {  	_ =	strace $0x9000004A  }
0xef: {  	s0 =	stileid.u32;
	[bflag:$0x2] =	sbarrier.arrive $0xFFFF  }
0xf0: {  	p0 =	sne.s32 s0, $0x0;
	s0 =	rddreg [dreg:$0x3]  }
0xf1: {  	s0 =	sadd.s32 @!p0 $0x100000, s0  }
0xf2: {  	[sflag:s0] =	ssyncadd.tile.s32 @!p0 $0x1;
	_ =	shalt  }
.Lfunc_end2:
_tile_overlayer_lowered:
.L_overlay_start_2:
0xf3: {  	(tag) =	ssettag $0x2  }
0xf4: {  	s0 =	rddreg [dreg:$0x0];
	s2 =	stileid.u32  }
0xf5: {  	s1 =	rddreg [dreg:$0x1];
	p0 =	sne.s32 s2, $0x0  }
0xf6: {  	s3 =	rddreg [dreg:$0x2];
	[bflag:$0x3] =	sbarrier.arrive $0xFFFF;
	s2 =	simm.s32 @!p0 $0x1C04  }
0xf7: {  	[timem:s3], [sflag:s2] =	dma.local @!p0 [hbm:s0], s1  }
0xf8: {  	s0 =	simm.s32 @!p0 $0x4  }
0xf9: {  	_ =	swait.ge @!p0 [sflag:s0], s1  }
0xfa: {  	s1 =	ssub.s32 @!p0 $0x0, s1;
	[sflag:s0] =	ssyncset.done @!p0 $0x0  }
0xfb: {  	[sflag:s0] =	ssyncadd.s32 @!p0 s1  }
0xfc: {  	[bflag:$0x3] =	sbarrier.arrive $0xFFFF  }
0xfd: {  	_ =	shalt  }

</sc_bundles>
